<compile_context>
chip_gen: v7x
topology: tpu7x:2x2x1
jax: 0.10.2.dev20260603
libtpu: 0.0.44.dev20260713+nightly
codegen_flags: <defaults>
</compile_context>

<pallas_src>
import functools

import jax
import jax.numpy as jnp
from jax import lax
from jax.experimental import pallas as pl
from jax.experimental.pallas import tpu as pltpu
from jax.experimental.pallas import tpu_sc as plsc

_MASK_RATIO = 0.6
_B, _G = 256, 8192
_K = int(_MASK_RATIO * _G)
_L = 16
_CHUNKS = _G // _L
_NBINS1 = 2048
_NBINS2 = 2048
_NBINS3 = 1024


def _make_sc_kernel():
    info = plsc.get_sparse_core_info()
    nc, ns = info.num_cores, info.num_subcores
    nw = nc * ns
    rpw = _B // nw
    mesh = plsc.VectorSubcoreMesh(core_axis_name="c", subcore_axis_name="s")

    @functools.partial(
        pl.kernel,
        out_type=jax.ShapeDtypeStruct((_B, _G), jnp.float32),
        mesh=mesh,
        compiler_params=pltpu.CompilerParams(needs_layout_passes=False),
        scratch_types=[
            pltpu.VMEM((_G * 3,), jnp.float32),
            pltpu.VMEM((_G * 3,), jnp.float32),
            pltpu.VMEM((_G,), jnp.int32),
            pltpu.VMEM((_NBINS1,), jnp.int32),
            pltpu.VMEM((_B,), jnp.int32),
            pltpu.VMEM((_G,), jnp.float32),
            pltpu.VMEM((_G + _L,), jnp.int32),
            pltpu.SemaphoreType.DMA,
            pltpu.SemaphoreType.DMA,
        ],
    )
    def sc_mask(rows_hbm, aidx_hbm, out_hbm, rowa, rowb, bitsv, hist, aidxv,
                outv, cmpv, sema, semb):
        wid = lax.axis_index("s") * nc + lax.axis_index("c")
        pltpu.sync_copy(aidx_hbm, aidxv)

        lanes = lax.broadcasted_iota(jnp.int32, (_L,), 0)
        lanes3 = lanes * 3
        ones16 = jnp.ones((_L,), jnp.int32)
        zeros16 = jnp.zeros((_L,), jnp.int32)
        sent16 = jnp.full((_L,), -1, jnp.int32)

        def zb(i, _):
            hist[pl.ds(i * _L, _L)] = zeros16
            return 0
        lax.fori_loop(0, _NBINS1 // _L, zb, 0)

        def scan_hist(nbins, kr):
            def sb(i, carry):
                run, bkt, pfx = carry
                v = hist[pl.ds(i * _L, _L)]
                hist[pl.ds(i * _L, _L)] = zeros16
                cum = plsc.cumsum(v)
                tot = jnp.max(cum)
                cond = ((run + cum) >= kr).astype(jnp.int32)
                nbef = 16 - jnp.sum(cond)
                isnew = jnp.logical_and(bkt >= nbins, nbef < 16)
                excl = jnp.sum(jnp.where(lanes < nbef, v, 0))
                bkt = jnp.where(isnew, i * _L + nbef, bkt)
                pfx = jnp.where(isnew, run + excl, pfx)
                return (run + tot, bkt, pfx)
            _, bkt, pfx = lax.fori_loop(
                0, nbins // _L, sb,
                (jnp.int32(0), jnp.int32(nbins), jnp.int32(0)))
            return bkt, pfx

        def fetch(r, buf, sem):
            pltpu.make_async_copy(
                rows_hbm.at[wid * rpw + r], buf, sem).start()

        def wait_fetch(r, buf, sem):
            pltpu.make_async_copy(
                rows_hbm.at[wid * rpw + r], buf, sem).wait()

        def process_row(r, rowv):
            row = wid * rpw + r
            ai3 = plsc.load_gather(aidxv, [row + zeros16])[0] * 3
            av = plsc.load_gather(rowv, [ai3 + lax.rem(lanes, 3)])
            ax = av[0]
            ay = av[1]
            az = av[2]

            def p1(i, _):
                idx = i * (3 * _L) + lanes3
                dx = plsc.load_gather(rowv, [idx]) - ax
                dy = plsc.load_gather(rowv, [idx + 1]) - ay
                dz = plsc.load_gather(rowv, [idx + 2]) - az
                d2 = dx * dx + dy * dy + dz * dz
                bits = plsc.bitcast(d2, jnp.int32)
                bitsv[pl.ds(i * _L, _L)] = bits
                plsc.addupdate_scatter(
                    hist, [lax.shift_right_logical(bits, 21)], ones16)
                return 0
            lax.fori_loop(0, _CHUNKS, p1, 0)
            b1, pfx1 = scan_hist(_NBINS1, jnp.int32(_K))
            kr2 = jnp.int32(_K) - pfx1

            def p2(i, coff):
                bits = bitsv[pl.ds(i * _L, _L)]
                hm = lax.shift_right_logical(bits, 21) == b1
                hit = hm.astype(jnp.int32)
                b2i = lax.shift_right_logical(bits, 10) & (_NBINS2 - 1)
                plsc.addupdate_scatter(hist, [b2i], hit)
                plsc.store_compressed(cmpv.at[pl.ds(coff, _L)], bits, mask=hm)
                return coff + jnp.sum(hit)
            m = lax.fori_loop(0, _CHUNKS, p2, jnp.int32(0))
            cmpv[pl.ds(m, _L)] = sent16
            b2, pfx2 = scan_hist(_NBINS2, kr2)
            kr3 = kr2 - pfx2
            top22 = b1 * _NBINS2 + b2

            def p3(i, _):
                bits = cmpv[pl.ds(i * _L, _L)]
                hit = (lax.shift_right_logical(bits, 10) == top22).astype(
                    jnp.int32)
                plsc.addupdate_scatter(hist, [bits & (_NBINS3 - 1)], hit)
                return 0
            lax.fori_loop(0, (m + _L - 1) // _L, p3, 0)
            b3, _pfx3 = scan_hist(_NBINS3, kr3)
            tbits = top22 * _NBINS3 + b3

            def pm(i, _):
                bits = bitsv[pl.ds(i * _L, _L)]
                outv[pl.ds(i * _L, _L)] = (bits <= tbits).astype(jnp.float32)
                return 0
            lax.fori_loop(0, _CHUNKS, pm, 0)
            pltpu.sync_copy(outv, out_hbm.at[row])

        fetch(0, rowa, sema)

        def do2(j, _):
            r0 = 2 * j
            wait_fetch(r0, rowa, sema)
            fetch(r0 + 1, rowb, semb)
            process_row(r0, rowa)
            wait_fetch(r0 + 1, rowb, semb)

            @pl.when(r0 + 2 < rpw)
            def _():
                fetch(r0 + 2, rowa, sema)
            process_row(r0 + 1, rowb)
            return 0

        lax.fori_loop(0, rpw // 2, do2, 0)

    return sc_mask


def kernel(center):
    b, g, _ = center.shape
    idx_key = jax.random.key(42)
    rand_index = jax.random.randint(idx_key, (b,), 0, g)
    rows = jnp.reshape(center, (b, g * 3))
    out = _make_sc_kernel()(rows, rand_index.astype(jnp.int32))
    return out.astype(jnp.bool_)

# --- scband reference (transcript-rebuilt; emitter-appended) ---
"""Pipeline reference for scband-mask-13168369730244 (READ-ONLY COPY).

The authoritative reference and input builder live on the scoring server;
editing this copy changes nothing except your own understanding.
"""

import jax, jax.numpy as jnp
import numpy as np

MASK_RATIO = 0.6
B, G = 256, 8192


def setup_inputs(seed: int = 0) -> dict:
    key = jax.random.key(seed)
    center = jax.random.normal(key, (B, G, 3), dtype=jnp.float32)
    return {"center": center}


def reference(center):
    # Faithful jax translation of Mask._mask_center_block (mask_type='block').
    # For each batch row: pick a random anchor point, compute L2 distance from the
    # anchor to every point, argsort ascending, mask the closest mask_num points.
    b, g, _ = center.shape
    mask_num = int(MASK_RATIO * g)
    # random.randint(0, points.size(1) - 1) per batch row -> jax.random.randint
    idx_key = jax.random.key(42)
    rand_index = jax.random.randint(idx_key, (b,), 0, g)

    def one_row(points, index):
        # points: (G, 3), index: scalar int
        anchor = points[index]  # (3,) -- gather
        # torch.norm(points[:, index].reshape(1,1,3) - points, p=2, dim=-1)
        dist = jnp.linalg.norm(anchor[None, :] - points, ord=2, axis=-1)  # (G,)
        order = jnp.argsort(dist)  # ascending, like torch.argsort(descending=False)
        mask = jnp.zeros((g,), dtype=jnp.float32)
        mask = mask.at[order[:mask_num]].set(1.0)  # scatter-overwrite
        return mask.astype(jnp.bool_)

    bool_masked_pos = jax.vmap(one_row)(center, rand_index)  # (B, G) bool
    return bool_masked_pos

if __name__ == "__main__":
    import jax
    _d = setup_inputs()
    print(jax.jit(kernel)(*tuple(_d.values())))

</pallas_src>

<mosaic_0001>
#map = affine_map<(d0, d1) -> (0, 0)>
#map1 = affine_map<(d0, d1) -> (0)>
module attributes {stable_mosaic.version = 14 : i64} {
  func.func @sc_mask(%arg0: i32, %arg1: i32, %arg2: memref<256x24576xf32, #tpu.memory_space<hbm>>, %arg3: memref<256xi32, #tpu.memory_space<hbm>>, %arg4: memref<256x8192xf32, #tpu.memory_space<hbm>>, %arg5: memref<24576xf32, #tpu.memory_space<vmem>>, %arg6: memref<24576xf32, #tpu.memory_space<vmem>>, %arg7: memref<8192xi32, #tpu.memory_space<vmem>>, %arg8: memref<2048xi32, #tpu.memory_space<vmem>>, %arg9: memref<256xi32, #tpu.memory_space<vmem>>, %arg10: memref<8192xf32, #tpu.memory_space<vmem>>, %arg11: memref<8208xi32, #tpu.memory_space<vmem>>, %arg12: memref<!tpu.dma_semaphore, #tpu.memory_space<semaphore_mem>>, %arg13: memref<!tpu.dma_semaphore, #tpu.memory_space<semaphore_mem>>) attributes {dimension_semantics = [#tpu.dimension_semantics<core_parallel>, #tpu.dimension_semantics<subcore_parallel>], iteration_bounds = array<i64: 2, 16>, scalar_prefetch = 0 : i64, scratch_operands = 9 : i64, tpu.core_type = #tpu.core_type<sc_vector_subcore>, window_params = [{transform_indices = #map}, {transform_indices = #map1}, {transform_indices = #map}]} {
    %mul3A = arith.constant 2 : i32
    %mul3A_0 = arith.muli %arg1, %mul3A : i32
    %add3A = arith.addi %mul3A_0, %arg0 : i32
    "tpu.region"() ({
      %run_scoped3A = tpu.sem_alloc : memref<!tpu.dma_semaphore, #tpu.memory_space<semaphore_mem>>
      tpu.enqueue_dma source(%arg3 : memref<256xi32, #tpu.memory_space<hbm>>) target(%arg9 : memref<256xi32, #tpu.memory_space<vmem>>) target_semaphore(%run_scoped3A : memref<!tpu.dma_semaphore, #tpu.memory_space<semaphore_mem>>)
      tpu.wait_dma2 semaphore(%run_scoped3A : memref<!tpu.dma_semaphore, #tpu.memory_space<semaphore_mem>>) src(%arg3 : memref<256xi32, #tpu.memory_space<hbm>>) dst(%arg9 : memref<256xi32, #tpu.memory_space<vmem>>)
      tpu.yield
    }) : () -> ()
    %iota3A = tpu.iota {dimensions = array<i32: 0>} : vector<16xi32>
    %mul3A_1 = arith.constant 3 : i32
    %mul3A_2 = vector.broadcast %mul3A_1 : i32 to vector<16xi32>
    %mul3A_3 = arith.muli %iota3A, %mul3A_2 : vector<16xi32>
    %broadcast_in_dim3A = arith.constant 1 : i32
    %broadcast_in_dim3A_4 = vector.broadcast %broadcast_in_dim3A : i32 to vector<16xi32>
    %broadcast_in_dim3A_5 = arith.constant 0 : i32
    %broadcast_in_dim3A_6 = vector.broadcast %broadcast_in_dim3A_5 : i32 to vector<16xi32>
    %broadcast_in_dim3A_7 = arith.constant -1 : i32
    %broadcast_in_dim3A_8 = vector.broadcast %broadcast_in_dim3A_7 : i32 to vector<16xi32>
    %scan3A = arith.constant 0 : i32
    %scan3A_9 = arith.constant 0 : i32
    %scan3A_10 = arith.constant 128 : i32
    %scan3A_11 = arith.addi %scan3A_9, %scan3A_10 : i32
    %scan3A_12 = arith.constant 1 : i32
    %scan3A_13 = scf.for %scan3A_31 = %scan3A_9 to %scan3A_11 step %scan3A_12 iter_args(%scan3A_32 = %scan3A) -> (i32)  : i32 {
      %mul3A_33 = arith.constant 16 : i32
      %mul3A_34 = arith.muli %scan3A_31, %mul3A_33 : i32
      %swap3A = arith.index_cast %mul3A_34 : i32 to index
      %swap3A_35 = tpu.vector_load %arg8[%swap3A] {strides = array<i32>} : memref<2048xi32, #tpu.memory_space<vmem>>, vector<16xi32>,
      tpu.vector_store %arg8[%swap3A], %broadcast_in_dim3A_6 {strides = array<i32>} : memref<2048xi32, #tpu.memory_space<vmem>>, vector<16xi32>,
      %scan3A_36 = arith.constant 0 : i32
      scf.yield %scan3A_36 : i32
    }
    %scan3A_14 = arith.constant 128 : i32
    %mul3A_15 = arith.constant 8 : i32
    %mul3A_16 = arith.muli %add3A, %mul3A_15 : i32
    %add3A_17 = arith.constant 0 : i32
    %add3A_18 = arith.addi %mul3A_16, %add3A_17 : i32
    %dma_start3A = arith.constant 0 : i32
    %dma_start3A_19 = tpu.memref_slice %arg2[%add3A_18, %dma_start3A] : memref<256x24576xf32, #tpu.memory_space<hbm>> -> memref<1x24576xf32, #tpu.memory_space<hbm>>
    %dma_start3A_20 = tpu.memref_squeeze %dma_start3A_19 : memref<1x24576xf32, #tpu.memory_space<hbm>> -> memref<24576xf32, #tpu.memory_space<hbm>>
    %dma_start3A_21 = arith.constant 0 : i32
    %dma_start3A_22 = tpu.memref_slice %arg2[%add3A_18, %dma_start3A_21] : memref<256x24576xf32, #tpu.memory_space<hbm>> -> memref<1x24576xf32, #tpu.memory_space<hbm>>
    %dma_start3A_23 = tpu.memref_squeeze %dma_start3A_22 : memref<1x24576xf32, #tpu.memory_space<hbm>> -> memref<24576xf32, #tpu.memory_space<hbm>>
    tpu.enqueue_dma source(%dma_start3A_23 : memref<24576xf32, #tpu.memory_space<hbm>>) target(%arg5 : memref<24576xf32, #tpu.memory_space<vmem>>) target_semaphore(%arg12 : memref<!tpu.dma_semaphore, #tpu.memory_space<semaphore_mem>>)
    %scan3A_24 = arith.constant 0 : i32
    %scan3A_25 = arith.constant 0 : i32
    %scan3A_26 = arith.constant 4 : i32
    %scan3A_27 = arith.addi %scan3A_25, %scan3A_26 : i32
    %scan3A_28 = arith.constant 1 : i32
    %scan3A_29 = scf.for %scan3A_31 = %scan3A_25 to %scan3A_27 step %scan3A_28 iter_args(%scan3A_32 = %scan3A_24) -> (i32)  : i32 {
      %mul3A_33 = arith.constant 2 : i32
      %mul3A_34 = arith.muli %mul3A_33, %scan3A_31 : i32
      %mul3A_35 = arith.constant 8 : i32
      %mul3A_36 = arith.muli %add3A, %mul3A_35 : i32
      %add3A_37 = arith.addi %mul3A_36, %mul3A_34 : i32
      %dma_wait3A = arith.constant 0 : i32
      %dma_wait3A_38 = tpu.memref_slice %arg2[%add3A_37, %dma_wait3A] : memref<256x24576xf32, #tpu.memory_space<hbm>> -> memref<1x24576xf32, #tpu.memory_space<hbm>>
      %dma_wait3A_39 = tpu.memref_squeeze %dma_wait3A_38 : memref<1x24576xf32, #tpu.memory_space<hbm>> -> memref<24576xf32, #tpu.memory_space<hbm>>
      %dma_wait3A_40 = arith.constant 0 : i32
      %dma_wait3A_41 = tpu.memref_slice %arg2[%add3A_37, %dma_wait3A_40] : memref<256x24576xf32, #tpu.memory_space<hbm>> -> memref<1x24576xf32, #tpu.memory_space<hbm>>
      %dma_wait3A_42 = tpu.memref_squeeze %dma_wait3A_41 : memref<1x24576xf32, #tpu.memory_space<hbm>> -> memref<24576xf32, #tpu.memory_space<hbm>>
      tpu.wait_dma2 semaphore(%arg12 : memref<!tpu.dma_semaphore, #tpu.memory_space<semaphore_mem>>) src(%dma_wait3A_42 : memref<24576xf32, #tpu.memory_space<hbm>>) dst(%arg5 : memref<24576xf32, #tpu.memory_space<vmem>>)
      %add3A_43 = arith.constant 1 : i32
      %add3A_44 = arith.addi %mul3A_34, %add3A_43 : i32
      %mul3A_45 = arith.constant 8 : i32
      %mul3A_46 = arith.muli %add3A, %mul3A_45 : i32
      %add3A_47 = arith.addi %mul3A_46, %add3A_44 : i32
      %dma_start3A_48 = arith.constant 0 : i32
      %dma_start3A_49 = tpu.memref_slice %arg2[%add3A_47, %dma_start3A_48] : memref<256x24576xf32, #tpu.memory_space<hbm>> -> memref<1x24576xf32, #tpu.memory_space<hbm>>
      %dma_start3A_50 = tpu.memref_squeeze %dma_start3A_49 : memref<1x24576xf32, #tpu.memory_space<hbm>> -> memref<24576xf32, #tpu.memory_space<hbm>>
      %dma_start3A_51 = arith.constant 0 : i32
      %dma_start3A_52 = tpu.memref_slice %arg2[%add3A_47, %dma_start3A_51] : memref<256x24576xf32, #tpu.memory_space<hbm>> -> memref<1x24576xf32, #tpu.memory_space<hbm>>
      %dma_start3A_53 = tpu.memref_squeeze %dma_start3A_52 : memref<1x24576xf32, #tpu.memory_space<hbm>> -> memref<24576xf32, #tpu.memory_space<hbm>>
      tpu.enqueue_dma source(%dma_start3A_53 : memref<24576xf32, #tpu.memory_space<hbm>>) target(%arg6 : memref<24576xf32, #tpu.memory_space<vmem>>) target_semaphore(%arg13 : memref<!tpu.dma_semaphore, #tpu.memory_space<semaphore_mem>>)
      %mul3A_54 = arith.constant 8 : i32
      %mul3A_55 = arith.muli %add3A, %mul3A_54 : i32
      %add3A_56 = arith.addi %mul3A_55, %mul3A_34 : i32
      %add3A_57 = vector.broadcast %add3A_56 : i32 to vector<16xi32>
      %add3A_58 = arith.addi %add3A_57, %broadcast_in_dim3A_6 : vector<16xi32>
      %gather3A = tpu.vector_load_idx %arg9[%add3A_58] : memref<256xi32, #tpu.memory_space<vmem>>[vector<16xi32>], vector<16xi32>,
      %slice3A = vector.extract_strided_slice %gather3A {offsets = [0], sizes = [1], strides = [1]} : vector<16xi32> to vector<1xi32>
      %squeeze3A = vector.extract %slice3A[0] : i32 from vector<1xi32>
      %mul3A_59 = arith.constant 3 : i32
      %mul3A_60 = arith.muli %squeeze3A, %mul3A_59 : i32
      %rem3A = arith.constant 3 : i32
      %rem3A_61 = vector.broadcast %rem3A : i32 to vector<16xi32>
      %rem3A_62 = arith.remsi %iota3A, %rem3A_61 : vector<16xi32>
      %add3A_63 = vector.broadcast %mul3A_60 : i32 to vector<16xi32>
      %add3A_64 = arith.addi %add3A_63, %rem3A_62 : vector<16xi32>
      %gather3A_65 = tpu.vector_load_idx %arg5[%add3A_64] : memref<24576xf32, #tpu.memory_space<vmem>>[vector<16xi32>], vector<16xf32>,
      %slice3A_66 = vector.extract_strided_slice %gather3A_65 {offsets = [0], sizes = [1], strides = [1]} : vector<16xf32> to vector<1xf32>
      %squeeze3A_67 = vector.extract %slice3A_66[0] : f32 from vector<1xf32>
      %slice3A_68 = vector.extract_strided_slice %gather3A_65 {offsets = [1], sizes = [1], strides = [1]} : vector<16xf32> to vector<1xf32>
      %squeeze3A_69 = vector.extract %slice3A_68[0] : f32 from vector<1xf32>
      %slice3A_70 = vector.extract_strided_slice %gather3A_65 {offsets = [2], sizes = [1], strides = [1]} : vector<16xf32> to vector<1xf32>
      %squeeze3A_71 = vector.extract %slice3A_70[0] : f32 from vector<1xf32>
      %scan3A_72 = arith.constant 0 : i32
      %scan3A_73 = arith.constant 0 : i32
      %scan3A_74 = arith.constant 512 : i32
      %scan3A_75 = arith.addi %scan3A_73, %scan3A_74 : i32
      %scan3A_76 = arith.constant 1 : i32
      %scan3A_77 = scf.for %scan3A_303 = %scan3A_73 to %scan3A_75 step %scan3A_76 iter_args(%scan3A_304 = %scan3A_72) -> (i32)  : i32 {
        %mul3A_305 = arith.constant 48 : i32
        %mul3A_306 = arith.muli %scan3A_303, %mul3A_305 : i32
        %add3A_307 = vector.broadcast %mul3A_306 : i32 to vector<16xi32>
        %add3A_308 = arith.addi %add3A_307, %mul3A_3 : vector<16xi32>
        %gather3A_309 = tpu.vector_load_idx %arg5[%add3A_308] : memref<24576xf32, #tpu.memory_space<vmem>>[vector<16xi32>], vector<16xf32>,
        %sub3A_310 = vector.broadcast %squeeze3A_67 : f32 to vector<16xf32>
        %sub3A_311 = arith.subf %gather3A_309, %sub3A_310 : vector<16xf32>
        %add3A_312 = arith.constant 1 : i32
        %add3A_313 = vector.broadcast %add3A_312 : i32 to vector<16xi32>
        %add3A_314 = arith.addi %add3A_308, %add3A_313 : vector<16xi32>
        %gather3A_315 = tpu.vector_load_idx %arg5[%add3A_314] : memref<24576xf32, #tpu.memory_space<vmem>>[vector<16xi32>], vector<16xf32>,
        %sub3A_316 = vector.broadcast %squeeze3A_69 : f32 to vector<16xf32>
        %sub3A_317 = arith.subf %gather3A_315, %sub3A_316 : vector<16xf32>
        %add3A_318 = arith.constant 2 : i32
        %add3A_319 = vector.broadcast %add3A_318 : i32 to vector<16xi32>
        %add3A_320 = arith.addi %add3A_308, %add3A_319 : vector<16xi32>
        %gather3A_321 = tpu.vector_load_idx %arg5[%add3A_320] : memref<24576xf32, #tpu.memory_space<vmem>>[vector<16xi32>], vector<16xf32>,
        %sub3A_322 = vector.broadcast %squeeze3A_71 : f32 to vector<16xf32>
        %sub3A_323 = arith.subf %gather3A_321, %sub3A_322 : vector<16xf32>
        %mul3A_324 = arith.mulf %sub3A_311, %sub3A_311 : vector<16xf32>
        %mul3A_325 = arith.mulf %sub3A_317, %sub3A_317 : vector<16xf32>
        %add3A_326 = arith.addf %mul3A_324, %mul3A_325 : vector<16xf32>
        %mul3A_327 = arith.mulf %sub3A_323, %sub3A_323 : vector<16xf32>
        %add3A_328 = arith.addf %add3A_326, %mul3A_327 : vector<16xf32>
        %bitcast3A = vector.bitcast %add3A_328 : vector<16xf32> to vector<16xi32>
        %mul3A_329 = arith.constant 16 : i32
        %mul3A_330 = arith.muli %scan3A_303, %mul3A_329 : i32
        %swap3A_331 = arith.index_cast %mul3A_330 : i32 to index
        %swap3A_332 = tpu.vector_load %arg7[%swap3A_331] {strides = array<i32>} : memref<8192xi32, #tpu.memory_space<vmem>>, vector<16xi32>,
        tpu.vector_store %arg7[%swap3A_331], %bitcast3A {strides = array<i32>} : memref<8192xi32, #tpu.memory_space<vmem>>, vector<16xi32>,
        %shift_right_logical3A = arith.constant 21 : i32
        %shift_right_logical3A_333 = vector.broadcast %shift_right_logical3A : i32 to vector<16xi32>
        %shift_right_logical3A_334 = arith.shrui %bitcast3A, %shift_right_logical3A_333 : vector<16xi32>
        tpu.vector_store_idx %arg8[%shift_right_logical3A_334], %broadcast_in_dim3A_4 {add = true} : memref<2048xi32, #tpu.memory_space<vmem>>[vector<16xi32>], vector<16xi32>,
        %scan3A_335 = arith.constant 0 : i32
        scf.yield %scan3A_335 : i32
      }
      %scan3A_78 = arith.constant 512 : i32
      %scan3A_79 = arith.constant 4915 : i32
      %scan3A_80 = arith.constant 0 : i32
      %scan3A_81 = arith.constant 2048 : i32
      %scan3A_82 = arith.constant 0 : i32
      %scan3A_83 = arith.constant 0 : i32
      %scan3A_84 = arith.constant 128 : i32
      %scan3A_85 = arith.addi %scan3A_83, %scan3A_84 : i32
      %scan3A_86 = arith.constant 1 : i32
      %scan3A_87:3 = scf.for %scan3A_303 = %scan3A_83 to %scan3A_85 step %scan3A_86 iter_args(%scan3A_304 = %scan3A_80, %scan3A_305 = %scan3A_81, %scan3A_306 = %scan3A_82) -> (i32, i32, i32)  : i32 {
        %mul3A_307 = arith.constant 16 : i32
        %mul3A_308 = arith.muli %scan3A_303, %mul3A_307 : i32
        %get3A = arith.index_cast %mul3A_308 : i32 to index
        %get3A_309 = tpu.vector_load %arg8[%get3A] {strides = array<i32>} : memref<2048xi32, #tpu.memory_space<vmem>>, vector<16xi32>,
        %mul3A_310 = arith.constant 16 : i32
        %mul3A_311 = arith.muli %scan3A_303, %mul3A_310 : i32
        %swap3A_312 = arith.index_cast %mul3A_311 : i32 to index
        %swap3A_313 = tpu.vector_load %arg8[%swap3A_312] {strides = array<i32>} : memref<2048xi32, #tpu.memory_space<vmem>>, vector<16xi32>,
        tpu.vector_store %arg8[%swap3A_312], %broadcast_in_dim3A_6 {strides = array<i32>} : memref<2048xi32, #tpu.memory_space<vmem>>, vector<16xi32>,
        %broadcast_in_dim3A_314 = arith.constant true
        %broadcast_in_dim3A_315 = vector.broadcast %broadcast_in_dim3A_314 : i1 to vector<16xi1>
        %masked_cumsum3A = tpu.scan <sum>, %get3A_309 masked %broadcast_in_dim3A_315 : vector<16xi32>, vector<16xi1> -> vector<16xi32>
        %reduce_max3A = arith.constant true
        %reduce_max3A_316 = vector.broadcast %reduce_max3A : i1 to vector<16xi1>
        %reduce_max3A_317 = arith.constant -2147483648 : i32
        %reduce_max3A_318 = vector.broadcast %reduce_max3A_317 : i32 to vector<16xi32>
        %reduce_max3A_319 = arith.xori %masked_cumsum3A, %reduce_max3A_318 : vector<16xi32>
        %reduce_max3A_320 = tpu.scan <max>, %reduce_max3A_319 masked %reduce_max3A_316 : vector<16xi32>, vector<16xi1> -> vector<16xi32>
        %reduce_max3A_321 = arith.xori %reduce_max3A_320, %reduce_max3A_318 : vector<16xi32>
        %reduce_max3A_322 = vector.extract %reduce_max3A_321[15] : i32 from vector<16xi32>
        %add3A_323 = vector.broadcast %scan3A_304 : i32 to vector<16xi32>
        %add3A_324 = arith.addi %add3A_323, %masked_cumsum3A : vector<16xi32>
        %ge3A = vector.broadcast %scan3A_79 : i32 to vector<16xi32>
        %ge3A_325 = arith.cmpi sge, %add3A_324, %ge3A : vector<16xi32>
        %convert_element_type3A_326 = arith.extui %ge3A_325 : vector<16xi1> to vector<16xi32>
        %reduce_sum3A = arith.constant true
        %reduce_sum3A_327 = vector.broadcast %reduce_sum3A : i1 to vector<16xi1>
        %reduce_sum3A_328 = tpu.scan <sum>, %convert_element_type3A_326 masked %reduce_sum3A_327 : vector<16xi32>, vector<16xi1> -> vector<16xi32>
        %reduce_sum3A_329 = vector.extract %reduce_sum3A_328[15] : i32 from vector<16xi32>
        %sub3A_330 = arith.constant 16 : i32
        %sub3A_331 = arith.subi %sub3A_330, %reduce_sum3A_329 : i32
        %ge3A_332 = arith.constant 2048 : i32
        %ge3A_333 = arith.cmpi sge, %scan3A_305, %ge3A_332 : i32
        %lt3A_334 = arith.constant 16 : i32
        %lt3A_335 = arith.cmpi slt, %sub3A_331, %lt3A_334 : i32
        %and3A_336 = arith.andi %ge3A_333, %lt3A_335 : i1
        %lt3A_337 = vector.broadcast %sub3A_331 : i32 to vector<16xi32>
        %lt3A_338 = arith.cmpi slt, %iota3A, %lt3A_337 : vector<16xi32>
        %jit3A_339 = arith.constant 0 : i32
        %broadcast_in_dim3A_340 = vector.broadcast %jit3A_339 : i32 to vector<16xi32>
        %select_n3A_341 = arith.select %lt3A_338, %get3A_309, %broadcast_in_dim3A_340 : vector<16xi1>, vector<16xi32>
        %reduce_sum3A_342 = arith.constant true
        %reduce_sum3A_343 = vector.broadcast %reduce_sum3A_342 : i1 to vector<16xi1>
        %reduce_sum3A_344 = tpu.scan <sum>, %select_n3A_341 masked %reduce_sum3A_343 : vector<16xi32>, vector<16xi1> -> vector<16xi32>
        %reduce_sum3A_345 = vector.extract %reduce_sum3A_344[15] : i32 from vector<16xi32>
        %mul3A_346 = arith.constant 16 : i32
        %mul3A_347 = arith.muli %scan3A_303, %mul3A_346 : i32
        %add3A_348 = arith.addi %mul3A_347, %sub3A_331 : i32
        %select_n3A_349 = arith.select %and3A_336, %add3A_348, %scan3A_305 : i32
        %add3A_350 = arith.addi %scan3A_304, %reduce_sum3A_345 : i32
        %select_n3A_351 = arith.select %and3A_336, %add3A_350, %scan3A_306 : i32
        %add3A_352 = arith.addi %scan3A_304, %reduce_max3A_322 : i32
        scf.yield %add3A_352, %select_n3A_349, %select_n3A_351 : i32, i32, i32
      }
      %scan3A_88 = arith.constant 128 : i32
      %sub3A = arith.constant 4915 : i32
      %sub3A_89 = arith.subi %sub3A, %scan3A_87#2 : i32
      %scan3A_90 = arith.constant 0 : i32
      %scan3A_91 = arith.constant 0 : i32
      %scan3A_92 = arith.constant 512 : i32
      %scan3A_93 = arith.addi %scan3A_91, %scan3A_92 : i32
      %scan3A_94 = arith.constant 1 : i32
      %scan3A_95 = scf.for %scan3A_303 = %scan3A_91 to %scan3A_93 step %scan3A_94 iter_args(%scan3A_304 = %scan3A_90) -> (i32)  : i32 {
        %mul3A_305 = arith.constant 16 : i32
        %mul3A_306 = arith.muli %scan3A_303, %mul3A_305 : i32
        %get3A = arith.index_cast %mul3A_306 : i32 to index
        %get3A_307 = tpu.vector_load %arg7[%get3A] {strides = array<i32>} : memref<8192xi32, #tpu.memory_space<vmem>>, vector<16xi32>,
        %shift_right_logical3A = arith.constant 21 : i32
        %shift_right_logical3A_308 = vector.broadcast %shift_right_logical3A : i32 to vector<16xi32>
        %shift_right_logical3A_309 = arith.shrui %get3A_307, %shift_right_logical3A_308 : vector<16xi32>
        %eq3A = vector.broadcast %scan3A_87#1 : i32 to vector<16xi32>
        %eq3A_310 = arith.cmpi eq, %shift_right_logical3A_309, %eq3A : vector<16xi32>
        %convert_element_type3A_311 = arith.extui %eq3A_310 : vector<16xi1> to vector<16xi32>
        %shift_right_logical3A_312 = arith.constant 10 : i32
        %shift_right_logical3A_313 = vector.broadcast %shift_right_logical3A_312 : i32 to vector<16xi32>
        %shift_right_logical3A_314 = arith.shrui %get3A_307, %shift_right_logical3A_313 : vector<16xi32>
        %and3A_315 = arith.constant 2047 : i32
        %and3A_316 = vector.broadcast %and3A_315 : i32 to vector<16xi32>
        %and3A_317 = arith.andi %shift_right_logical3A_314, %and3A_316 : vector<16xi32>
        tpu.vector_store_idx %arg8[%and3A_317], %convert_element_type3A_311 {add = true} : memref<2048xi32, #tpu.memory_space<vmem>>[vector<16xi32>], vector<16xi32>,
        %swap3A_318 = arith.index_cast %scan3A_304 : i32 to index
        %swap3A_319 = tpu.vector_load %arg11[%swap3A_318] masked %eq3A_310 {strides = array<i32>} : memref<8208xi32, #tpu.memory_space<vmem>>, vector<16xi32>, vector<16xi1>
        tpu.vector_store %arg11[%swap3A_318], %get3A_307 masked %eq3A_310 {strides = array<i32>} : memref<8208xi32, #tpu.memory_space<vmem>>, vector<16xi32>, vector<16xi1>
        %reduce_sum3A = arith.constant true
        %reduce_sum3A_320 = vector.broadcast %reduce_sum3A : i1 to vector<16xi1>
        %reduce_sum3A_321 = tpu.scan <sum>, %convert_element_type3A_311 masked %reduce_sum3A_320 : vector<16xi32>, vector<16xi1> -> vector<16xi32>
        %reduce_sum3A_322 = vector.extract %reduce_sum3A_321[15] : i32 from vector<16xi32>
        %add3A_323 = arith.addi %scan3A_304, %reduce_sum3A_322 : i32
        scf.yield %add3A_323 : i32
      }
      %scan3A_96 = arith.constant 512 : i32
      %swap3A = arith.index_cast %scan3A_95 : i32 to index
      %swap3A_97 = tpu.vector_load %arg11[%swap3A] {strides = array<i32>} : memref<8208xi32, #tpu.memory_space<vmem>>, vector<16xi32>,
      tpu.vector_store %arg11[%swap3A], %broadcast_in_dim3A_8 {strides = array<i32>} : memref<8208xi32, #tpu.memory_space<vmem>>, vector<16xi32>,
      %scan3A_98 = arith.constant 0 : i32
      %scan3A_99 = arith.constant 2048 : i32
      %scan3A_100 = arith.constant 0 : i32
      %scan3A_101 = arith.constant 0 : i32
      %scan3A_102 = arith.constant 128 : i32
      %scan3A_103 = arith.addi %scan3A_101, %scan3A_102 : i32
      %scan3A_104 = arith.constant 1 : i32
      %scan3A_105:3 = scf.for %scan3A_303 = %scan3A_101 to %scan3A_103 step %scan3A_104 iter_args(%scan3A_304 = %scan3A_98, %scan3A_305 = %scan3A_99, %scan3A_306 = %scan3A_100) -> (i32, i32, i32)  : i32 {
        %mul3A_307 = arith.constant 16 : i32
        %mul3A_308 = arith.muli %scan3A_303, %mul3A_307 : i32
        %get3A = arith.index_cast %mul3A_308 : i32 to index
        %get3A_309 = tpu.vector_load %arg8[%get3A] {strides = array<i32>} : memref<2048xi32, #tpu.memory_space<vmem>>, vector<16xi32>,
        %mul3A_310 = arith.constant 16 : i32
        %mul3A_311 = arith.muli %scan3A_303, %mul3A_310 : i32
        %swap3A_312 = arith.index_cast %mul3A_311 : i32 to index
        %swap3A_313 = tpu.vector_load %arg8[%swap3A_312] {strides = array<i32>} : memref<2048xi32, #tpu.memory_space<vmem>>, vector<16xi32>,
        tpu.vector_store %arg8[%swap3A_312], %broadcast_in_dim3A_6 {strides = array<i32>} : memref<2048xi32, #tpu.memory_space<vmem>>, vector<16xi32>,
        %broadcast_in_dim3A_314 = arith.constant true
        %broadcast_in_dim3A_315 = vector.broadcast %broadcast_in_dim3A_314 : i1 to vector<16xi1>
        %masked_cumsum3A = tpu.scan <sum>, %get3A_309 masked %broadcast_in_dim3A_315 : vector<16xi32>, vector<16xi1> -> vector<16xi32>
        %reduce_max3A = arith.constant true
        %reduce_max3A_316 = vector.broadcast %reduce_max3A : i1 to vector<16xi1>
        %reduce_max3A_317 = arith.constant -2147483648 : i32
        %reduce_max3A_318 = vector.broadcast %reduce_max3A_317 : i32 to vector<16xi32>
        %reduce_max3A_319 = arith.xori %masked_cumsum3A, %reduce_max3A_318 : vector<16xi32>
        %reduce_max3A_320 = tpu.scan <max>, %reduce_max3A_319 masked %reduce_max3A_316 : vector<16xi32>, vector<16xi1> -> vector<16xi32>
        %reduce_max3A_321 = arith.xori %reduce_max3A_320, %reduce_max3A_318 : vector<16xi32>
        %reduce_max3A_322 = vector.extract %reduce_max3A_321[15] : i32 from vector<16xi32>
        %add3A_323 = vector.broadcast %scan3A_304 : i32 to vector<16xi32>
        %add3A_324 = arith.addi %add3A_323, %masked_cumsum3A : vector<16xi32>
        %ge3A = vector.broadcast %sub3A_89 : i32 to vector<16xi32>
        %ge3A_325 = arith.cmpi sge, %add3A_324, %ge3A : vector<16xi32>
        %convert_element_type3A_326 = arith.extui %ge3A_325 : vector<16xi1> to vector<16xi32>
        %reduce_sum3A = arith.constant true
        %reduce_sum3A_327 = vector.broadcast %reduce_sum3A : i1 to vector<16xi1>
        %reduce_sum3A_328 = tpu.scan <sum>, %convert_element_type3A_326 masked %reduce_sum3A_327 : vector<16xi32>, vector<16xi1> -> vector<16xi32>
        %reduce_sum3A_329 = vector.extract %reduce_sum3A_328[15] : i32 from vector<16xi32>
        %sub3A_330 = arith.constant 16 : i32
        %sub3A_331 = arith.subi %sub3A_330, %reduce_sum3A_329 : i32
        %ge3A_332 = arith.constant 2048 : i32
        %ge3A_333 = arith.cmpi sge, %scan3A_305, %ge3A_332 : i32
        %lt3A_334 = arith.constant 16 : i32
        %lt3A_335 = arith.cmpi slt, %sub3A_331, %lt3A_334 : i32
        %and3A_336 = arith.andi %ge3A_333, %lt3A_335 : i1
        %lt3A_337 = vector.broadcast %sub3A_331 : i32 to vector<16xi32>
        %lt3A_338 = arith.cmpi slt, %iota3A, %lt3A_337 : vector<16xi32>
        %jit3A_339 = arith.constant 0 : i32
        %broadcast_in_dim3A_340 = vector.broadcast %jit3A_339 : i32 to vector<16xi32>
        %select_n3A_341 = arith.select %lt3A_338, %get3A_309, %broadcast_in_dim3A_340 : vector<16xi1>, vector<16xi32>
        %reduce_sum3A_342 = arith.constant true
        %reduce_sum3A_343 = vector.broadcast %reduce_sum3A_342 : i1 to vector<16xi1>
        %reduce_sum3A_344 = tpu.scan <sum>, %select_n3A_341 masked %reduce_sum3A_343 : vector<16xi32>, vector<16xi1> -> vector<16xi32>
        %reduce_sum3A_345 = vector.extract %reduce_sum3A_344[15] : i32 from vector<16xi32>
        %mul3A_346 = arith.constant 16 : i32
        %mul3A_347 = arith.muli %scan3A_303, %mul3A_346 : i32
        %add3A_348 = arith.addi %mul3A_347, %sub3A_331 : i32
        %select_n3A_349 = arith.select %and3A_336, %add3A_348, %scan3A_305 : i32
        %add3A_350 = arith.addi %scan3A_304, %reduce_sum3A_345 : i32
        %select_n3A_351 = arith.select %and3A_336, %add3A_350, %scan3A_306 : i32
        %add3A_352 = arith.addi %scan3A_304, %reduce_max3A_322 : i32
        scf.yield %add3A_352, %select_n3A_349, %select_n3A_351 : i32, i32, i32
      }
      %scan3A_106 = arith.constant 128 : i32
      %sub3A_107 = arith.subi %sub3A_89, %scan3A_105#2 : i32
      %mul3A_108 = arith.constant 2048 : i32
      %mul3A_109 = arith.muli %scan3A_87#1, %mul3A_108 : i32
      %add3A_110 = arith.addi %mul3A_109, %scan3A_105#1 : i32
      %add3A_111 = arith.constant 16 : i32
      %add3A_112 = arith.addi %scan3A_95, %add3A_111 : i32
      %sub3A_113 = arith.constant 1 : i32
      %sub3A_114 = arith.subi %add3A_112, %sub3A_113 : i32
      %jit3A = arith.constant 16 : i32
      %div3A = arith.divsi %sub3A_114, %jit3A : i32
      %sign3A = arith.constant 0 : i32
      %sign3A_115 = arith.cmpi sgt, %sub3A_114, %sign3A : i32
      %sign3A_116 = arith.extui %sign3A_115 : i1 to i32
      %sign3A_117 = arith.constant 0 : i32
      %sign3A_118 = arith.cmpi slt, %sub3A_114, %sign3A_117 : i32
      %sign3A_119 = arith.extui %sign3A_118 : i1 to i32
      %sign3A_120 = arith.subi %sign3A_116, %sign3A_119 : i32
      %sign3A_121 = arith.constant 0 : i32
      %sign3A_122 = arith.cmpi sgt, %jit3A, %sign3A_121 : i32
      %sign3A_123 = arith.extui %sign3A_122 : i1 to i32
      %sign3A_124 = arith.constant 0 : i32
      %sign3A_125 = arith.cmpi slt, %jit3A, %sign3A_124 : i32
      %sign3A_126 = arith.extui %sign3A_125 : i1 to i32
      %sign3A_127 = arith.subi %sign3A_123, %sign3A_126 : i32
      %ne3A = arith.cmpi ne, %sign3A_120, %sign3A_127 : i32
      %rem3A_128 = arith.remsi %sub3A_114, %jit3A : i32
      %ne3A_129 = arith.constant 0 : i32
      %ne3A_130 = arith.cmpi ne, %rem3A_128, %ne3A_129 : i32
      %and3A = arith.andi %ne3A, %ne3A_130 : i1
      %sub3A_131 = arith.constant 1 : i32
      %sub3A_132 = arith.subi %div3A, %sub3A_131 : i32
      %select_n3A = arith.select %and3A, %sub3A_132, %div3A : i32
      %while3A = arith.constant 0 : i32
      %while3A_133 = arith.constant 0 : i32
      %while3A_134 = arith.subi %select_n3A, %while3A : i32
      %while3A_135 = arith.addi %while3A, %while3A_134 : i32
      %while3A_136 = arith.constant 1 : i32
      %while3A_137 = arith.divsi %while3A_134, %while3A_136 : i32
      %while3A_138 = arith.muli %while3A_137, %while3A_136 : i32
      %while3A_139 = arith.addi %while3A, %while3A_138 : i32
      %while3A_140 = arith.constant 1 : i32
      %while3A_141 = scf.for %while3A_303 = %while3A to %while3A_139 step %while3A_140 iter_args(%while3A_304 = %while3A_133) -> (i32)  : i32 {
        %mul3A_305 = arith.constant 16 : i32
        %mul3A_306 = arith.muli %while3A_303, %mul3A_305 : i32
        %get3A = arith.index_cast %mul3A_306 : i32 to index
        %get3A_307 = tpu.vector_load %arg11[%get3A] {strides = array<i32>} : memref<8208xi32, #tpu.memory_space<vmem>>, vector<16xi32>,
        %shift_right_logical3A = arith.constant 10 : i32
        %shift_right_logical3A_308 = vector.broadcast %shift_right_logical3A : i32 to vector<16xi32>
        %shift_right_logical3A_309 = arith.shrui %get3A_307, %shift_right_logical3A_308 : vector<16xi32>
        %eq3A = vector.broadcast %add3A_110 : i32 to vector<16xi32>
        %eq3A_310 = arith.cmpi eq, %shift_right_logical3A_309, %eq3A : vector<16xi32>
        %convert_element_type3A_311 = arith.extui %eq3A_310 : vector<16xi1> to vector<16xi32>
        %and3A_312 = arith.constant 1023 : i32
        %and3A_313 = vector.broadcast %and3A_312 : i32 to vector<16xi32>
        %and3A_314 = arith.andi %get3A_307, %and3A_313 : vector<16xi32>
        tpu.vector_store_idx %arg8[%and3A_314], %convert_element_type3A_311 {add = true} : memref<2048xi32, #tpu.memory_space<vmem>>[vector<16xi32>], vector<16xi32>,
        %while3A_315 = arith.constant 0 : i32
        scf.yield %while3A_315 : i32
      }
      %while3A_142 = arith.constant 1 : i32
      %while3A_143 = scf.for %while3A_303 = %while3A_139 to %while3A_135 step %while3A_142 iter_args(%while3A_304 = %while3A_141) -> (i32)  : i32 {
        %mul3A_305 = arith.constant 16 : i32
        %mul3A_306 = arith.muli %while3A_303, %mul3A_305 : i32
        %get3A = arith.index_cast %mul3A_306 : i32 to index
        %get3A_307 = tpu.vector_load %arg11[%get3A] {strides = array<i32>} : memref<8208xi32, #tpu.memory_space<vmem>>, vector<16xi32>,
        %shift_right_logical3A = arith.constant 10 : i32
        %shift_right_logical3A_308 = vector.broadcast %shift_right_logical3A : i32 to vector<16xi32>
        %shift_right_logical3A_309 = arith.shrui %get3A_307, %shift_right_logical3A_308 : vector<16xi32>
        %eq3A = vector.broadcast %add3A_110 : i32 to vector<16xi32>
        %eq3A_310 = arith.cmpi eq, %shift_right_logical3A_309, %eq3A : vector<16xi32>
        %convert_element_type3A_311 = arith.extui %eq3A_310 : vector<16xi1> to vector<16xi32>
        %and3A_312 = arith.constant 1023 : i32
        %and3A_313 = vector.broadcast %and3A_312 : i32 to vector<16xi32>
        %and3A_314 = arith.andi %get3A_307, %and3A_313 : vector<16xi32>
        tpu.vector_store_idx %arg8[%and3A_314], %convert_element_type3A_311 {add = true} : memref<2048xi32, #tpu.memory_space<vmem>>[vector<16xi32>], vector<16xi32>,
        %while3A_315 = arith.constant 0 : i32
        scf.yield %while3A_315 : i32
      }
      %scan3A_144 = arith.constant 0 : i32
      %scan3A_145 = arith.constant 1024 : i32
      %scan3A_146 = arith.constant 0 : i32
      %scan3A_147 = arith.constant 0 : i32
      %scan3A_148 = arith.constant 64 : i32
      %scan3A_149 = arith.addi %scan3A_147, %scan3A_148 : i32
      %scan3A_150 = arith.constant 1 : i32
      %scan3A_151:3 = scf.for %scan3A_303 = %scan3A_147 to %scan3A_149 step %scan3A_150 iter_args(%scan3A_304 = %scan3A_144, %scan3A_305 = %scan3A_145, %scan3A_306 = %scan3A_146) -> (i32, i32, i32)  : i32 {
        %mul3A_307 = arith.constant 16 : i32
        %mul3A_308 = arith.muli %scan3A_303, %mul3A_307 : i32
        %get3A = arith.index_cast %mul3A_308 : i32 to index
        %get3A_309 = tpu.vector_load %arg8[%get3A] {strides = array<i32>} : memref<2048xi32, #tpu.memory_space<vmem>>, vector<16xi32>,
        %mul3A_310 = arith.constant 16 : i32
        %mul3A_311 = arith.muli %scan3A_303, %mul3A_310 : i32
        %swap3A_312 = arith.index_cast %mul3A_311 : i32 to index
        %swap3A_313 = tpu.vector_load %arg8[%swap3A_312] {strides = array<i32>} : memref<2048xi32, #tpu.memory_space<vmem>>, vector<16xi32>,
        tpu.vector_store %arg8[%swap3A_312], %broadcast_in_dim3A_6 {strides = array<i32>} : memref<2048xi32, #tpu.memory_space<vmem>>, vector<16xi32>,
        %broadcast_in_dim3A_314 = arith.constant true
        %broadcast_in_dim3A_315 = vector.broadcast %broadcast_in_dim3A_314 : i1 to vector<16xi1>
        %masked_cumsum3A = tpu.scan <sum>, %get3A_309 masked %broadcast_in_dim3A_315 : vector<16xi32>, vector<16xi1> -> vector<16xi32>
        %reduce_max3A = arith.constant true
        %reduce_max3A_316 = vector.broadcast %reduce_max3A : i1 to vector<16xi1>
        %reduce_max3A_317 = arith.constant -2147483648 : i32
        %reduce_max3A_318 = vector.broadcast %reduce_max3A_317 : i32 to vector<16xi32>
        %reduce_max3A_319 = arith.xori %masked_cumsum3A, %reduce_max3A_318 : vector<16xi32>
        %reduce_max3A_320 = tpu.scan <max>, %reduce_max3A_319 masked %reduce_max3A_316 : vector<16xi32>, vector<16xi1> -> vector<16xi32>
        %reduce_max3A_321 = arith.xori %reduce_max3A_320, %reduce_max3A_318 : vector<16xi32>
        %reduce_max3A_322 = vector.extract %reduce_max3A_321[15] : i32 from vector<16xi32>
        %add3A_323 = vector.broadcast %scan3A_304 : i32 to vector<16xi32>
        %add3A_324 = arith.addi %add3A_323, %masked_cumsum3A : vector<16xi32>
        %ge3A = vector.broadcast %sub3A_107 : i32 to vector<16xi32>
        %ge3A_325 = arith.cmpi sge, %add3A_324, %ge3A : vector<16xi32>
        %convert_element_type3A_326 = arith.extui %ge3A_325 : vector<16xi1> to vector<16xi32>
        %reduce_sum3A = arith.constant true
        %reduce_sum3A_327 = vector.broadcast %reduce_sum3A : i1 to vector<16xi1>
        %reduce_sum3A_328 = tpu.scan <sum>, %convert_element_type3A_326 masked %reduce_sum3A_327 : vector<16xi32>, vector<16xi1> -> vector<16xi32>
        %reduce_sum3A_329 = vector.extract %reduce_sum3A_328[15] : i32 from vector<16xi32>
        %sub3A_330 = arith.constant 16 : i32
        %sub3A_331 = arith.subi %sub3A_330, %reduce_sum3A_329 : i32
        %ge3A_332 = arith.constant 1024 : i32
        %ge3A_333 = arith.cmpi sge, %scan3A_305, %ge3A_332 : i32
        %lt3A_334 = arith.constant 16 : i32
        %lt3A_335 = arith.cmpi slt, %sub3A_331, %lt3A_334 : i32
        %and3A_336 = arith.andi %ge3A_333, %lt3A_335 : i1
        %lt3A_337 = vector.broadcast %sub3A_331 : i32 to vector<16xi32>
        %lt3A_338 = arith.cmpi slt, %iota3A, %lt3A_337 : vector<16xi32>
        %jit3A_339 = arith.constant 0 : i32
        %broadcast_in_dim3A_340 = vector.broadcast %jit3A_339 : i32 to vector<16xi32>
        %select_n3A_341 = arith.select %lt3A_338, %get3A_309, %broadcast_in_dim3A_340 : vector<16xi1>, vector<16xi32>
        %reduce_sum3A_342 = arith.constant true
        %reduce_sum3A_343 = vector.broadcast %reduce_sum3A_342 : i1 to vector<16xi1>
        %reduce_sum3A_344 = tpu.scan <sum>, %select_n3A_341 masked %reduce_sum3A_343 : vector<16xi32>, vector<16xi1> -> vector<16xi32>
        %reduce_sum3A_345 = vector.extract %reduce_sum3A_344[15] : i32 from vector<16xi32>
        %mul3A_346 = arith.constant 16 : i32
        %mul3A_347 = arith.muli %scan3A_303, %mul3A_346 : i32
        %add3A_348 = arith.addi %mul3A_347, %sub3A_331 : i32
        %select_n3A_349 = arith.select %and3A_336, %add3A_348, %scan3A_305 : i32
        %add3A_350 = arith.addi %scan3A_304, %reduce_sum3A_345 : i32
        %select_n3A_351 = arith.select %and3A_336, %add3A_350, %scan3A_306 : i32
        %add3A_352 = arith.addi %scan3A_304, %reduce_max3A_322 : i32
        scf.yield %add3A_352, %select_n3A_349, %select_n3A_351 : i32, i32, i32
      }
      %scan3A_152 = arith.constant 64 : i32
      %mul3A_153 = arith.constant 1024 : i32
      %mul3A_154 = arith.muli %add3A_110, %mul3A_153 : i32
      %add3A_155 = arith.addi %mul3A_154, %scan3A_151#1 : i32
      %scan3A_156 = arith.constant 0 : i32
      %scan3A_157 = arith.constant 0 : i32
      %scan3A_158 = arith.constant 512 : i32
      %scan3A_159 = arith.addi %scan3A_157, %scan3A_158 : i32
      %scan3A_160 = arith.constant 1 : i32
      %scan3A_161 = scf.for %scan3A_303 = %scan3A_157 to %scan3A_159 step %scan3A_160 iter_args(%scan3A_304 = %scan3A_156) -> (i32)  : i32 {
        %mul3A_305 = arith.constant 16 : i32
        %mul3A_306 = arith.muli %scan3A_303, %mul3A_305 : i32
        %get3A = arith.index_cast %mul3A_306 : i32 to index
        %get3A_307 = tpu.vector_load %arg7[%get3A] {strides = array<i32>} : memref<8192xi32, #tpu.memory_space<vmem>>, vector<16xi32>,
        %le3A = vector.broadcast %add3A_155 : i32 to vector<16xi32>
        %le3A_308 = arith.cmpi sle, %get3A_307, %le3A : vector<16xi32>
        %convert_element_type3A_309 = arith.extui %le3A_308 : vector<16xi1> to vector<16xi32>
        %convert_element_type3A_310 = arith.sitofp %convert_element_type3A_309 : vector<16xi32> to vector<16xf32>
        %mul3A_311 = arith.constant 16 : i32
        %mul3A_312 = arith.muli %scan3A_303, %mul3A_311 : i32
        %swap3A_313 = arith.index_cast %mul3A_312 : i32 to index
        %swap3A_314 = tpu.vector_load %arg10[%swap3A_313] {strides = array<i32>} : memref<8192xf32, #tpu.memory_space<vmem>>, vector<16xf32>,
        tpu.vector_store %arg10[%swap3A_313], %convert_element_type3A_310 {strides = array<i32>} : memref<8192xf32, #tpu.memory_space<vmem>>, vector<16xf32>,
        %scan3A_315 = arith.constant 0 : i32
        scf.yield %scan3A_315 : i32
      }
      %scan3A_162 = arith.constant 512 : i32
      "tpu.region"() ({
        %run_scoped3A = tpu.sem_alloc : memref<!tpu.dma_semaphore, #tpu.memory_space<semaphore_mem>>
        %dma_start3A_303 = arith.constant 0 : i32
        %dma_start3A_304 = tpu.memref_slice %arg4[%add3A_56, %dma_start3A_303] : memref<256x8192xf32, #tpu.memory_space<hbm>> -> memref<1x8192xf32, #tpu.memory_space<hbm>>
        %dma_start3A_305 = tpu.memref_squeeze %dma_start3A_304 : memref<1x8192xf32, #tpu.memory_space<hbm>> -> memref<8192xf32, #tpu.memory_space<hbm>>
        %dma_start3A_306 = arith.constant 0 : i32
        %dma_start3A_307 = tpu.memref_slice %arg4[%add3A_56, %dma_start3A_306] : memref<256x8192xf32, #tpu.memory_space<hbm>> -> memref<1x8192xf32, #tpu.memory_space<hbm>>
        %dma_start3A_308 = tpu.memref_squeeze %dma_start3A_307 : memref<1x8192xf32, #tpu.memory_space<hbm>> -> memref<8192xf32, #tpu.memory_space<hbm>>
        tpu.enqueue_dma source(%arg10 : memref<8192xf32, #tpu.memory_space<vmem>>) target(%dma_start3A_308 : memref<8192xf32, #tpu.memory_space<hbm>>) target_semaphore(%run_scoped3A : memref<!tpu.dma_semaphore, #tpu.memory_space<semaphore_mem>>)
        %dma_wait3A_309 = arith.constant 0 : i32
        %dma_wait3A_310 = tpu.memref_slice %arg4[%add3A_56, %dma_wait3A_309] : memref<256x8192xf32, #tpu.memory_space<hbm>> -> memref<1x8192xf32, #tpu.memory_space<hbm>>
        %dma_wait3A_311 = tpu.memref_squeeze %dma_wait3A_310 : memref<1x8192xf32, #tpu.memory_space<hbm>> -> memref<8192xf32, #tpu.memory_space<hbm>>
        %dma_wait3A_312 = arith.constant 0 : i32
        %dma_wait3A_313 = tpu.memref_slice %arg4[%add3A_56, %dma_wait3A_312] : memref<256x8192xf32, #tpu.memory_space<hbm>> -> memref<1x8192xf32, #tpu.memory_space<hbm>>
        %dma_wait3A_314 = tpu.memref_squeeze %dma_wait3A_313 : memref<1x8192xf32, #tpu.memory_space<hbm>> -> memref<8192xf32, #tpu.memory_space<hbm>>
        tpu.wait_dma2 semaphore(%run_scoped3A : memref<!tpu.dma_semaphore, #tpu.memory_space<semaphore_mem>>) src(%arg10 : memref<8192xf32, #tpu.memory_space<vmem>>) dst(%dma_wait3A_314 : memref<8192xf32, #tpu.memory_space<hbm>>)
        tpu.yield
      }) : () -> ()
      %add3A_163 = arith.constant 1 : i32
      %add3A_164 = arith.addi %mul3A_34, %add3A_163 : i32
      %mul3A_165 = arith.constant 8 : i32
      %mul3A_166 = arith.muli %add3A, %mul3A_165 : i32
      %add3A_167 = arith.addi %mul3A_166, %add3A_164 : i32
      %dma_wait3A_168 = arith.constant 0 : i32
      %dma_wait3A_169 = tpu.memref_slice %arg2[%add3A_167, %dma_wait3A_168] : memref<256x24576xf32, #tpu.memory_space<hbm>> -> memref<1x24576xf32, #tpu.memory_space<hbm>>
      %dma_wait3A_170 = tpu.memref_squeeze %dma_wait3A_169 : memref<1x24576xf32, #tpu.memory_space<hbm>> -> memref<24576xf32, #tpu.memory_space<hbm>>
      %dma_wait3A_171 = arith.constant 0 : i32
      %dma_wait3A_172 = tpu.memref_slice %arg2[%add3A_167, %dma_wait3A_171] : memref<256x24576xf32, #tpu.memory_space<hbm>> -> memref<1x24576xf32, #tpu.memory_space<hbm>>
      %dma_wait3A_173 = tpu.memref_squeeze %dma_wait3A_172 : memref<1x24576xf32, #tpu.memory_space<hbm>> -> memref<24576xf32, #tpu.memory_space<hbm>>
      tpu.wait_dma2 semaphore(%arg13 : memref<!tpu.dma_semaphore, #tpu.memory_space<semaphore_mem>>) src(%dma_wait3A_173 : memref<24576xf32, #tpu.memory_space<hbm>>) dst(%arg6 : memref<24576xf32, #tpu.memory_space<vmem>>)
      %add3A_174 = arith.constant 2 : i32
      %add3A_175 = arith.addi %mul3A_34, %add3A_174 : i32
      %lt3A = arith.constant 8 : i32
      %lt3A_176 = arith.cmpi slt, %add3A_175, %lt3A : i32
      %convert_element_type3A = arith.extui %lt3A_176 : i1 to i32
      %cond3A = arith.constant 0 : i32
      %cond3A_177 = arith.cmpi ne, %convert_element_type3A, %cond3A : i32
      scf.if %cond3A_177 {
        %add3A_303 = arith.constant 2 : i32
        %add3A_304 = arith.addi %mul3A_34, %add3A_303 : i32
        %mul3A_305 = arith.constant 8 : i32
        %mul3A_306 = arith.muli %add3A, %mul3A_305 : i32
        %add3A_307 = arith.addi %mul3A_306, %add3A_304 : i32
        %dma_start3A_308 = arith.constant 0 : i32
        %dma_start3A_309 = tpu.memref_slice %arg2[%add3A_307, %dma_start3A_308] : memref<256x24576xf32, #tpu.memory_space<hbm>> -> memref<1x24576xf32, #tpu.memory_space<hbm>>
        %dma_start3A_310 = tpu.memref_squeeze %dma_start3A_309 : memref<1x24576xf32, #tpu.memory_space<hbm>> -> memref<24576xf32, #tpu.memory_space<hbm>>
        %dma_start3A_311 = arith.constant 0 : i32
        %dma_start3A_312 = tpu.memref_slice %arg2[%add3A_307, %dma_start3A_311] : memref<256x24576xf32, #tpu.memory_space<hbm>> -> memref<1x24576xf32, #tpu.memory_space<hbm>>
        %dma_start3A_313 = tpu.memref_squeeze %dma_start3A_312 : memref<1x24576xf32, #tpu.memory_space<hbm>> -> memref<24576xf32, #tpu.memory_space<hbm>>
        tpu.enqueue_dma source(%dma_start3A_313 : memref<24576xf32, #tpu.memory_space<hbm>>) target(%arg5 : memref<24576xf32, #tpu.memory_space<vmem>>) target_semaphore(%arg12 : memref<!tpu.dma_semaphore, #tpu.memory_space<semaphore_mem>>)
      } else {
      }
      %add3A_178 = arith.constant 1 : i32
      %add3A_179 = arith.addi %mul3A_34, %add3A_178 : i32
      %mul3A_180 = arith.constant 8 : i32
      %mul3A_181 = arith.muli %add3A, %mul3A_180 : i32
      %add3A_182 = arith.addi %mul3A_181, %add3A_179 : i32
      %add3A_183 = vector.broadcast %add3A_182 : i32 to vector<16xi32>
      %add3A_184 = arith.addi %add3A_183, %broadcast_in_dim3A_6 : vector<16xi32>
      %gather3A_185 = tpu.vector_load_idx %arg9[%add3A_184] : memref<256xi32, #tpu.memory_space<vmem>>[vector<16xi32>], vector<16xi32>,
      %slice3A_186 = vector.extract_strided_slice %gather3A_185 {offsets = [0], sizes = [1], strides = [1]} : vector<16xi32> to vector<1xi32>
      %squeeze3A_187 = vector.extract %slice3A_186[0] : i32 from vector<1xi32>
      %mul3A_188 = arith.constant 3 : i32
      %mul3A_189 = arith.muli %squeeze3A_187, %mul3A_188 : i32
      %rem3A_190 = arith.constant 3 : i32
      %rem3A_191 = vector.broadcast %rem3A_190 : i32 to vector<16xi32>
      %rem3A_192 = arith.remsi %iota3A, %rem3A_191 : vector<16xi32>
      %add3A_193 = vector.broadcast %mul3A_189 : i32 to vector<16xi32>
      %add3A_194 = arith.addi %add3A_193, %rem3A_192 : vector<16xi32>
      %gather3A_195 = tpu.vector_load_idx %arg6[%add3A_194] : memref<24576xf32, #tpu.memory_space<vmem>>[vector<16xi32>], vector<16xf32>,
      %slice3A_196 = vector.extract_strided_slice %gather3A_195 {offsets = [0], sizes = [1], strides = [1]} : vector<16xf32> to vector<1xf32>
      %squeeze3A_197 = vector.extract %slice3A_196[0] : f32 from vector<1xf32>
      %slice3A_198 = vector.extract_strided_slice %gather3A_195 {offsets = [1], sizes = [1], strides = [1]} : vector<16xf32> to vector<1xf32>
      %squeeze3A_199 = vector.extract %slice3A_198[0] : f32 from vector<1xf32>
      %slice3A_200 = vector.extract_strided_slice %gather3A_195 {offsets = [2], sizes = [1], strides = [1]} : vector<16xf32> to vector<1xf32>
      %squeeze3A_201 = vector.extract %slice3A_200[0] : f32 from vector<1xf32>
      %scan3A_202 = arith.constant 0 : i32
      %scan3A_203 = arith.constant 0 : i32
      %scan3A_204 = arith.constant 512 : i32
      %scan3A_205 = arith.addi %scan3A_203, %scan3A_204 : i32
      %scan3A_206 = arith.constant 1 : i32
      %scan3A_207 = scf.for %scan3A_303 = %scan3A_203 to %scan3A_205 step %scan3A_206 iter_args(%scan3A_304 = %scan3A_202) -> (i32)  : i32 {
        %mul3A_305 = arith.constant 48 : i32
        %mul3A_306 = arith.muli %scan3A_303, %mul3A_305 : i32
        %add3A_307 = vector.broadcast %mul3A_306 : i32 to vector<16xi32>
        %add3A_308 = arith.addi %add3A_307, %mul3A_3 : vector<16xi32>
        %gather3A_309 = tpu.vector_load_idx %arg6[%add3A_308] : memref<24576xf32, #tpu.memory_space<vmem>>[vector<16xi32>], vector<16xf32>,
        %sub3A_310 = vector.broadcast %squeeze3A_197 : f32 to vector<16xf32>
        %sub3A_311 = arith.subf %gather3A_309, %sub3A_310 : vector<16xf32>
        %add3A_312 = arith.constant 1 : i32
        %add3A_313 = vector.broadcast %add3A_312 : i32 to vector<16xi32>
        %add3A_314 = arith.addi %add3A_308, %add3A_313 : vector<16xi32>
        %gather3A_315 = tpu.vector_load_idx %arg6[%add3A_314] : memref<24576xf32, #tpu.memory_space<vmem>>[vector<16xi32>], vector<16xf32>,
        %sub3A_316 = vector.broadcast %squeeze3A_199 : f32 to vector<16xf32>
        %sub3A_317 = arith.subf %gather3A_315, %sub3A_316 : vector<16xf32>
        %add3A_318 = arith.constant 2 : i32
        %add3A_319 = vector.broadcast %add3A_318 : i32 to vector<16xi32>
        %add3A_320 = arith.addi %add3A_308, %add3A_319 : vector<16xi32>
        %gather3A_321 = tpu.vector_load_idx %arg6[%add3A_320] : memref<24576xf32, #tpu.memory_space<vmem>>[vector<16xi32>], vector<16xf32>,
        %sub3A_322 = vector.broadcast %squeeze3A_201 : f32 to vector<16xf32>
        %sub3A_323 = arith.subf %gather3A_321, %sub3A_322 : vector<16xf32>
        %mul3A_324 = arith.mulf %sub3A_311, %sub3A_311 : vector<16xf32>
        %mul3A_325 = arith.mulf %sub3A_317, %sub3A_317 : vector<16xf32>
        %add3A_326 = arith.addf %mul3A_324, %mul3A_325 : vector<16xf32>
        %mul3A_327 = arith.mulf %sub3A_323, %sub3A_323 : vector<16xf32>
        %add3A_328 = arith.addf %add3A_326, %mul3A_327 : vector<16xf32>
        %bitcast3A = vector.bitcast %add3A_328 : vector<16xf32> to vector<16xi32>
        %mul3A_329 = arith.constant 16 : i32
        %mul3A_330 = arith.muli %scan3A_303, %mul3A_329 : i32
        %swap3A_331 = arith.index_cast %mul3A_330 : i32 to index
        %swap3A_332 = tpu.vector_load %arg7[%swap3A_331] {strides = array<i32>} : memref<8192xi32, #tpu.memory_space<vmem>>, vector<16xi32>,
        tpu.vector_store %arg7[%swap3A_331], %bitcast3A {strides = array<i32>} : memref<8192xi32, #tpu.memory_space<vmem>>, vector<16xi32>,
        %shift_right_logical3A = arith.constant 21 : i32
        %shift_right_logical3A_333 = vector.broadcast %shift_right_logical3A : i32 to vector<16xi32>
        %shift_right_logical3A_334 = arith.shrui %bitcast3A, %shift_right_logical3A_333 : vector<16xi32>
        tpu.vector_store_idx %arg8[%shift_right_logical3A_334], %broadcast_in_dim3A_4 {add = true} : memref<2048xi32, #tpu.memory_space<vmem>>[vector<16xi32>], vector<16xi32>,
        %scan3A_335 = arith.constant 0 : i32
        scf.yield %scan3A_335 : i32
      }
      %scan3A_208 = arith.constant 512 : i32
      %scan3A_209 = arith.constant 4915 : i32
      %scan3A_210 = arith.constant 0 : i32
      %scan3A_211 = arith.constant 2048 : i32
      %scan3A_212 = arith.constant 0 : i32
      %scan3A_213 = arith.constant 0 : i32
      %scan3A_214 = arith.constant 128 : i32
      %scan3A_215 = arith.addi %scan3A_213, %scan3A_214 : i32
      %scan3A_216 = arith.constant 1 : i32
      %scan3A_217:3 = scf.for %scan3A_303 = %scan3A_213 to %scan3A_215 step %scan3A_216 iter_args(%scan3A_304 = %scan3A_210, %scan3A_305 = %scan3A_211, %scan3A_306 = %scan3A_212) -> (i32, i32, i32)  : i32 {
        %mul3A_307 = arith.constant 16 : i32
        %mul3A_308 = arith.muli %scan3A_303, %mul3A_307 : i32
        %get3A = arith.index_cast %mul3A_308 : i32 to index
        %get3A_309 = tpu.vector_load %arg8[%get3A] {strides = array<i32>} : memref<2048xi32, #tpu.memory_space<vmem>>, vector<16xi32>,
        %mul3A_310 = arith.constant 16 : i32
        %mul3A_311 = arith.muli %scan3A_303, %mul3A_310 : i32
        %swap3A_312 = arith.index_cast %mul3A_311 : i32 to index
        %swap3A_313 = tpu.vector_load %arg8[%swap3A_312] {strides = array<i32>} : memref<2048xi32, #tpu.memory_space<vmem>>, vector<16xi32>,
        tpu.vector_store %arg8[%swap3A_312], %broadcast_in_dim3A_6 {strides = array<i32>} : memref<2048xi32, #tpu.memory_space<vmem>>, vector<16xi32>,
        %broadcast_in_dim3A_314 = arith.constant true
        %broadcast_in_dim3A_315 = vector.broadcast %broadcast_in_dim3A_314 : i1 to vector<16xi1>
        %masked_cumsum3A = tpu.scan <sum>, %get3A_309 masked %broadcast_in_dim3A_315 : vector<16xi32>, vector<16xi1> -> vector<16xi32>
        %reduce_max3A = arith.constant true
        %reduce_max3A_316 = vector.broadcast %reduce_max3A : i1 to vector<16xi1>
        %reduce_max3A_317 = arith.constant -2147483648 : i32
        %reduce_max3A_318 = vector.broadcast %reduce_max3A_317 : i32 to vector<16xi32>
        %reduce_max3A_319 = arith.xori %masked_cumsum3A, %reduce_max3A_318 : vector<16xi32>
        %reduce_max3A_320 = tpu.scan <max>, %reduce_max3A_319 masked %reduce_max3A_316 : vector<16xi32>, vector<16xi1> -> vector<16xi32>
        %reduce_max3A_321 = arith.xori %reduce_max3A_320, %reduce_max3A_318 : vector<16xi32>
        %reduce_max3A_322 = vector.extract %reduce_max3A_321[15] : i32 from vector<16xi32>
        %add3A_323 = vector.broadcast %scan3A_304 : i32 to vector<16xi32>
        %add3A_324 = arith.addi %add3A_323, %masked_cumsum3A : vector<16xi32>
        %ge3A = vector.broadcast %scan3A_209 : i32 to vector<16xi32>
        %ge3A_325 = arith.cmpi sge, %add3A_324, %ge3A : vector<16xi32>
        %convert_element_type3A_326 = arith.extui %ge3A_325 : vector<16xi1> to vector<16xi32>
        %reduce_sum3A = arith.constant true
        %reduce_sum3A_327 = vector.broadcast %reduce_sum3A : i1 to vector<16xi1>
        %reduce_sum3A_328 = tpu.scan <sum>, %convert_element_type3A_326 masked %reduce_sum3A_327 : vector<16xi32>, vector<16xi1> -> vector<16xi32>
        %reduce_sum3A_329 = vector.extract %reduce_sum3A_328[15] : i32 from vector<16xi32>
        %sub3A_330 = arith.constant 16 : i32
        %sub3A_331 = arith.subi %sub3A_330, %reduce_sum3A_329 : i32
        %ge3A_332 = arith.constant 2048 : i32
        %ge3A_333 = arith.cmpi sge, %scan3A_305, %ge3A_332 : i32
        %lt3A_334 = arith.constant 16 : i32
        %lt3A_335 = arith.cmpi slt, %sub3A_331, %lt3A_334 : i32
        %and3A_336 = arith.andi %ge3A_333, %lt3A_335 : i1
        %lt3A_337 = vector.broadcast %sub3A_331 : i32 to vector<16xi32>
        %lt3A_338 = arith.cmpi slt, %iota3A, %lt3A_337 : vector<16xi32>
        %jit3A_339 = arith.constant 0 : i32
        %broadcast_in_dim3A_340 = vector.broadcast %jit3A_339 : i32 to vector<16xi32>
        %select_n3A_341 = arith.select %lt3A_338, %get3A_309, %broadcast_in_dim3A_340 : vector<16xi1>, vector<16xi32>
        %reduce_sum3A_342 = arith.constant true
        %reduce_sum3A_343 = vector.broadcast %reduce_sum3A_342 : i1 to vector<16xi1>
        %reduce_sum3A_344 = tpu.scan <sum>, %select_n3A_341 masked %reduce_sum3A_343 : vector<16xi32>, vector<16xi1> -> vector<16xi32>
        %reduce_sum3A_345 = vector.extract %reduce_sum3A_344[15] : i32 from vector<16xi32>
        %mul3A_346 = arith.constant 16 : i32
        %mul3A_347 = arith.muli %scan3A_303, %mul3A_346 : i32
        %add3A_348 = arith.addi %mul3A_347, %sub3A_331 : i32
        %select_n3A_349 = arith.select %and3A_336, %add3A_348, %scan3A_305 : i32
        %add3A_350 = arith.addi %scan3A_304, %reduce_sum3A_345 : i32
        %select_n3A_351 = arith.select %and3A_336, %add3A_350, %scan3A_306 : i32
        %add3A_352 = arith.addi %scan3A_304, %reduce_max3A_322 : i32
        scf.yield %add3A_352, %select_n3A_349, %select_n3A_351 : i32, i32, i32
      }
      %scan3A_218 = arith.constant 128 : i32
      %sub3A_219 = arith.constant 4915 : i32
      %sub3A_220 = arith.subi %sub3A_219, %scan3A_217#2 : i32
      %scan3A_221 = arith.constant 0 : i32
      %scan3A_222 = arith.constant 0 : i32
      %scan3A_223 = arith.constant 512 : i32
      %scan3A_224 = arith.addi %scan3A_222, %scan3A_223 : i32
      %scan3A_225 = arith.constant 1 : i32
      %scan3A_226 = scf.for %scan3A_303 = %scan3A_222 to %scan3A_224 step %scan3A_225 iter_args(%scan3A_304 = %scan3A_221) -> (i32)  : i32 {
        %mul3A_305 = arith.constant 16 : i32
        %mul3A_306 = arith.muli %scan3A_303, %mul3A_305 : i32
        %get3A = arith.index_cast %mul3A_306 : i32 to index
        %get3A_307 = tpu.vector_load %arg7[%get3A] {strides = array<i32>} : memref<8192xi32, #tpu.memory_space<vmem>>, vector<16xi32>,
        %shift_right_logical3A = arith.constant 21 : i32
        %shift_right_logical3A_308 = vector.broadcast %shift_right_logical3A : i32 to vector<16xi32>
        %shift_right_logical3A_309 = arith.shrui %get3A_307, %shift_right_logical3A_308 : vector<16xi32>
        %eq3A = vector.broadcast %scan3A_217#1 : i32 to vector<16xi32>
        %eq3A_310 = arith.cmpi eq, %shift_right_logical3A_309, %eq3A : vector<16xi32>
        %convert_element_type3A_311 = arith.extui %eq3A_310 : vector<16xi1> to vector<16xi32>
        %shift_right_logical3A_312 = arith.constant 10 : i32
        %shift_right_logical3A_313 = vector.broadcast %shift_right_logical3A_312 : i32 to vector<16xi32>
        %shift_right_logical3A_314 = arith.shrui %get3A_307, %shift_right_logical3A_313 : vector<16xi32>
        %and3A_315 = arith.constant 2047 : i32
        %and3A_316 = vector.broadcast %and3A_315 : i32 to vector<16xi32>
        %and3A_317 = arith.andi %shift_right_logical3A_314, %and3A_316 : vector<16xi32>
        tpu.vector_store_idx %arg8[%and3A_317], %convert_element_type3A_311 {add = true} : memref<2048xi32, #tpu.memory_space<vmem>>[vector<16xi32>], vector<16xi32>,
        %swap3A_318 = arith.index_cast %scan3A_304 : i32 to index
        %swap3A_319 = tpu.vector_load %arg11[%swap3A_318] masked %eq3A_310 {strides = array<i32>} : memref<8208xi32, #tpu.memory_space<vmem>>, vector<16xi32>, vector<16xi1>
        tpu.vector_store %arg11[%swap3A_318], %get3A_307 masked %eq3A_310 {strides = array<i32>} : memref<8208xi32, #tpu.memory_space<vmem>>, vector<16xi32>, vector<16xi1>
        %reduce_sum3A = arith.constant true
        %reduce_sum3A_320 = vector.broadcast %reduce_sum3A : i1 to vector<16xi1>
        %reduce_sum3A_321 = tpu.scan <sum>, %convert_element_type3A_311 masked %reduce_sum3A_320 : vector<16xi32>, vector<16xi1> -> vector<16xi32>
        %reduce_sum3A_322 = vector.extract %reduce_sum3A_321[15] : i32 from vector<16xi32>
        %add3A_323 = arith.addi %scan3A_304, %reduce_sum3A_322 : i32
        scf.yield %add3A_323 : i32
      }
      %scan3A_227 = arith.constant 512 : i32
      %swap3A_228 = arith.index_cast %scan3A_226 : i32 to index
      %swap3A_229 = tpu.vector_load %arg11[%swap3A_228] {strides = array<i32>} : memref<8208xi32, #tpu.memory_space<vmem>>, vector<16xi32>,
      tpu.vector_store %arg11[%swap3A_228], %broadcast_in_dim3A_8 {strides = array<i32>} : memref<8208xi32, #tpu.memory_space<vmem>>, vector<16xi32>,
      %scan3A_230 = arith.constant 0 : i32
      %scan3A_231 = arith.constant 2048 : i32
      %scan3A_232 = arith.constant 0 : i32
      %scan3A_233 = arith.constant 0 : i32
      %scan3A_234 = arith.constant 128 : i32
      %scan3A_235 = arith.addi %scan3A_233, %scan3A_234 : i32
      %scan3A_236 = arith.constant 1 : i32
      %scan3A_237:3 = scf.for %scan3A_303 = %scan3A_233 to %scan3A_235 step %scan3A_236 iter_args(%scan3A_304 = %scan3A_230, %scan3A_305 = %scan3A_231, %scan3A_306 = %scan3A_232) -> (i32, i32, i32)  : i32 {
        %mul3A_307 = arith.constant 16 : i32
        %mul3A_308 = arith.muli %scan3A_303, %mul3A_307 : i32
        %get3A = arith.index_cast %mul3A_308 : i32 to index
        %get3A_309 = tpu.vector_load %arg8[%get3A] {strides = array<i32>} : memref<2048xi32, #tpu.memory_space<vmem>>, vector<16xi32>,
        %mul3A_310 = arith.constant 16 : i32
        %mul3A_311 = arith.muli %scan3A_303, %mul3A_310 : i32
        %swap3A_312 = arith.index_cast %mul3A_311 : i32 to index
        %swap3A_313 = tpu.vector_load %arg8[%swap3A_312] {strides = array<i32>} : memref<2048xi32, #tpu.memory_space<vmem>>, vector<16xi32>,
        tpu.vector_store %arg8[%swap3A_312], %broadcast_in_dim3A_6 {strides = array<i32>} : memref<2048xi32, #tpu.memory_space<vmem>>, vector<16xi32>,
        %broadcast_in_dim3A_314 = arith.constant true
        %broadcast_in_dim3A_315 = vector.broadcast %broadcast_in_dim3A_314 : i1 to vector<16xi1>
        %masked_cumsum3A = tpu.scan <sum>, %get3A_309 masked %broadcast_in_dim3A_315 : vector<16xi32>, vector<16xi1> -> vector<16xi32>
        %reduce_max3A = arith.constant true
        %reduce_max3A_316 = vector.broadcast %reduce_max3A : i1 to vector<16xi1>
        %reduce_max3A_317 = arith.constant -2147483648 : i32
        %reduce_max3A_318 = vector.broadcast %reduce_max3A_317 : i32 to vector<16xi32>
        %reduce_max3A_319 = arith.xori %masked_cumsum3A, %reduce_max3A_318 : vector<16xi32>
        %reduce_max3A_320 = tpu.scan <max>, %reduce_max3A_319 masked %reduce_max3A_316 : vector<16xi32>, vector<16xi1> -> vector<16xi32>
        %reduce_max3A_321 = arith.xori %reduce_max3A_320, %reduce_max3A_318 : vector<16xi32>
        %reduce_max3A_322 = vector.extract %reduce_max3A_321[15] : i32 from vector<16xi32>
        %add3A_323 = vector.broadcast %scan3A_304 : i32 to vector<16xi32>
        %add3A_324 = arith.addi %add3A_323, %masked_cumsum3A : vector<16xi32>
        %ge3A = vector.broadcast %sub3A_220 : i32 to vector<16xi32>
        %ge3A_325 = arith.cmpi sge, %add3A_324, %ge3A : vector<16xi32>
        %convert_element_type3A_326 = arith.extui %ge3A_325 : vector<16xi1> to vector<16xi32>
        %reduce_sum3A = arith.constant true
        %reduce_sum3A_327 = vector.broadcast %reduce_sum3A : i1 to vector<16xi1>
        %reduce_sum3A_328 = tpu.scan <sum>, %convert_element_type3A_326 masked %reduce_sum3A_327 : vector<16xi32>, vector<16xi1> -> vector<16xi32>
        %reduce_sum3A_329 = vector.extract %reduce_sum3A_328[15] : i32 from vector<16xi32>
        %sub3A_330 = arith.constant 16 : i32
        %sub3A_331 = arith.subi %sub3A_330, %reduce_sum3A_329 : i32
        %ge3A_332 = arith.constant 2048 : i32
        %ge3A_333 = arith.cmpi sge, %scan3A_305, %ge3A_332 : i32
        %lt3A_334 = arith.constant 16 : i32
        %lt3A_335 = arith.cmpi slt, %sub3A_331, %lt3A_334 : i32
        %and3A_336 = arith.andi %ge3A_333, %lt3A_335 : i1
        %lt3A_337 = vector.broadcast %sub3A_331 : i32 to vector<16xi32>
        %lt3A_338 = arith.cmpi slt, %iota3A, %lt3A_337 : vector<16xi32>
        %jit3A_339 = arith.constant 0 : i32
        %broadcast_in_dim3A_340 = vector.broadcast %jit3A_339 : i32 to vector<16xi32>
        %select_n3A_341 = arith.select %lt3A_338, %get3A_309, %broadcast_in_dim3A_340 : vector<16xi1>, vector<16xi32>
        %reduce_sum3A_342 = arith.constant true
        %reduce_sum3A_343 = vector.broadcast %reduce_sum3A_342 : i1 to vector<16xi1>
        %reduce_sum3A_344 = tpu.scan <sum>, %select_n3A_341 masked %reduce_sum3A_343 : vector<16xi32>, vector<16xi1> -> vector<16xi32>
        %reduce_sum3A_345 = vector.extract %reduce_sum3A_344[15] : i32 from vector<16xi32>
        %mul3A_346 = arith.constant 16 : i32
        %mul3A_347 = arith.muli %scan3A_303, %mul3A_346 : i32
        %add3A_348 = arith.addi %mul3A_347, %sub3A_331 : i32
        %select_n3A_349 = arith.select %and3A_336, %add3A_348, %scan3A_305 : i32
        %add3A_350 = arith.addi %scan3A_304, %reduce_sum3A_345 : i32
        %select_n3A_351 = arith.select %and3A_336, %add3A_350, %scan3A_306 : i32
        %add3A_352 = arith.addi %scan3A_304, %reduce_max3A_322 : i32
        scf.yield %add3A_352, %select_n3A_349, %select_n3A_351 : i32, i32, i32
      }
      %scan3A_238 = arith.constant 128 : i32
      %sub3A_239 = arith.subi %sub3A_220, %scan3A_237#2 : i32
      %mul3A_240 = arith.constant 2048 : i32
      %mul3A_241 = arith.muli %scan3A_217#1, %mul3A_240 : i32
      %add3A_242 = arith.addi %mul3A_241, %scan3A_237#1 : i32
      %add3A_243 = arith.constant 16 : i32
      %add3A_244 = arith.addi %scan3A_226, %add3A_243 : i32
      %sub3A_245 = arith.constant 1 : i32
      %sub3A_246 = arith.subi %add3A_244, %sub3A_245 : i32
      %jit3A_247 = arith.constant 16 : i32
      %div3A_248 = arith.divsi %sub3A_246, %jit3A_247 : i32
      %sign3A_249 = arith.constant 0 : i32
      %sign3A_250 = arith.cmpi sgt, %sub3A_246, %sign3A_249 : i32
      %sign3A_251 = arith.extui %sign3A_250 : i1 to i32
      %sign3A_252 = arith.constant 0 : i32
      %sign3A_253 = arith.cmpi slt, %sub3A_246, %sign3A_252 : i32
      %sign3A_254 = arith.extui %sign3A_253 : i1 to i32
      %sign3A_255 = arith.subi %sign3A_251, %sign3A_254 : i32
      %sign3A_256 = arith.constant 0 : i32
      %sign3A_257 = arith.cmpi sgt, %jit3A_247, %sign3A_256 : i32
      %sign3A_258 = arith.extui %sign3A_257 : i1 to i32
      %sign3A_259 = arith.constant 0 : i32
      %sign3A_260 = arith.cmpi slt, %jit3A_247, %sign3A_259 : i32
      %sign3A_261 = arith.extui %sign3A_260 : i1 to i32
      %sign3A_262 = arith.subi %sign3A_258, %sign3A_261 : i32
      %ne3A_263 = arith.cmpi ne, %sign3A_255, %sign3A_262 : i32
      %rem3A_264 = arith.remsi %sub3A_246, %jit3A_247 : i32
      %ne3A_265 = arith.constant 0 : i32
      %ne3A_266 = arith.cmpi ne, %rem3A_264, %ne3A_265 : i32
      %and3A_267 = arith.andi %ne3A_263, %ne3A_266 : i1
      %sub3A_268 = arith.constant 1 : i32
      %sub3A_269 = arith.subi %div3A_248, %sub3A_268 : i32
      %select_n3A_270 = arith.select %and3A_267, %sub3A_269, %div3A_248 : i32
      %while3A_271 = arith.constant 0 : i32
      %while3A_272 = arith.constant 0 : i32
      %while3A_273 = arith.subi %select_n3A_270, %while3A_271 : i32
      %while3A_274 = arith.addi %while3A_271, %while3A_273 : i32
      %while3A_275 = arith.constant 1 : i32
      %while3A_276 = arith.divsi %while3A_273, %while3A_275 : i32
      %while3A_277 = arith.muli %while3A_276, %while3A_275 : i32
      %while3A_278 = arith.addi %while3A_271, %while3A_277 : i32
      %while3A_279 = arith.constant 1 : i32
      %while3A_280 = scf.for %while3A_303 = %while3A_271 to %while3A_278 step %while3A_279 iter_args(%while3A_304 = %while3A_272) -> (i32)  : i32 {
        %mul3A_305 = arith.constant 16 : i32
        %mul3A_306 = arith.muli %while3A_303, %mul3A_305 : i32
        %get3A = arith.index_cast %mul3A_306 : i32 to index
        %get3A_307 = tpu.vector_load %arg11[%get3A] {strides = array<i32>} : memref<8208xi32, #tpu.memory_space<vmem>>, vector<16xi32>,
        %shift_right_logical3A = arith.constant 10 : i32
        %shift_right_logical3A_308 = vector.broadcast %shift_right_logical3A : i32 to vector<16xi32>
        %shift_right_logical3A_309 = arith.shrui %get3A_307, %shift_right_logical3A_308 : vector<16xi32>
        %eq3A = vector.broadcast %add3A_242 : i32 to vector<16xi32>
        %eq3A_310 = arith.cmpi eq, %shift_right_logical3A_309, %eq3A : vector<16xi32>
        %convert_element_type3A_311 = arith.extui %eq3A_310 : vector<16xi1> to vector<16xi32>
        %and3A_312 = arith.constant 1023 : i32
        %and3A_313 = vector.broadcast %and3A_312 : i32 to vector<16xi32>
        %and3A_314 = arith.andi %get3A_307, %and3A_313 : vector<16xi32>
        tpu.vector_store_idx %arg8[%and3A_314], %convert_element_type3A_311 {add = true} : memref<2048xi32, #tpu.memory_space<vmem>>[vector<16xi32>], vector<16xi32>,
        %while3A_315 = arith.constant 0 : i32
        scf.yield %while3A_315 : i32
      }
      %while3A_281 = arith.constant 1 : i32
      %while3A_282 = scf.for %while3A_303 = %while3A_278 to %while3A_274 step %while3A_281 iter_args(%while3A_304 = %while3A_280) -> (i32)  : i32 {
        %mul3A_305 = arith.constant 16 : i32
        %mul3A_306 = arith.muli %while3A_303, %mul3A_305 : i32
        %get3A = arith.index_cast %mul3A_306 : i32 to index
        %get3A_307 = tpu.vector_load %arg11[%get3A] {strides = array<i32>} : memref<8208xi32, #tpu.memory_space<vmem>>, vector<16xi32>,
        %shift_right_logical3A = arith.constant 10 : i32
        %shift_right_logical3A_308 = vector.broadcast %shift_right_logical3A : i32 to vector<16xi32>
        %shift_right_logical3A_309 = arith.shrui %get3A_307, %shift_right_logical3A_308 : vector<16xi32>
        %eq3A = vector.broadcast %add3A_242 : i32 to vector<16xi32>
        %eq3A_310 = arith.cmpi eq, %shift_right_logical3A_309, %eq3A : vector<16xi32>
        %convert_element_type3A_311 = arith.extui %eq3A_310 : vector<16xi1> to vector<16xi32>
        %and3A_312 = arith.constant 1023 : i32
        %and3A_313 = vector.broadcast %and3A_312 : i32 to vector<16xi32>
        %and3A_314 = arith.andi %get3A_307, %and3A_313 : vector<16xi32>
        tpu.vector_store_idx %arg8[%and3A_314], %convert_element_type3A_311 {add = true} : memref<2048xi32, #tpu.memory_space<vmem>>[vector<16xi32>], vector<16xi32>,
        %while3A_315 = arith.constant 0 : i32
        scf.yield %while3A_315 : i32
      }
      %scan3A_283 = arith.constant 0 : i32
      %scan3A_284 = arith.constant 1024 : i32
      %scan3A_285 = arith.constant 0 : i32
      %scan3A_286 = arith.constant 0 : i32
      %scan3A_287 = arith.constant 64 : i32
      %scan3A_288 = arith.addi %scan3A_286, %scan3A_287 : i32
      %scan3A_289 = arith.constant 1 : i32
      %scan3A_290:3 = scf.for %scan3A_303 = %scan3A_286 to %scan3A_288 step %scan3A_289 iter_args(%scan3A_304 = %scan3A_283, %scan3A_305 = %scan3A_284, %scan3A_306 = %scan3A_285) -> (i32, i32, i32)  : i32 {
        %mul3A_307 = arith.constant 16 : i32
        %mul3A_308 = arith.muli %scan3A_303, %mul3A_307 : i32
        %get3A = arith.index_cast %mul3A_308 : i32 to index
        %get3A_309 = tpu.vector_load %arg8[%get3A] {strides = array<i32>} : memref<2048xi32, #tpu.memory_space<vmem>>, vector<16xi32>,
        %mul3A_310 = arith.constant 16 : i32
        %mul3A_311 = arith.muli %scan3A_303, %mul3A_310 : i32
        %swap3A_312 = arith.index_cast %mul3A_311 : i32 to index
        %swap3A_313 = tpu.vector_load %arg8[%swap3A_312] {strides = array<i32>} : memref<2048xi32, #tpu.memory_space<vmem>>, vector<16xi32>,
        tpu.vector_store %arg8[%swap3A_312], %broadcast_in_dim3A_6 {strides = array<i32>} : memref<2048xi32, #tpu.memory_space<vmem>>, vector<16xi32>,
        %broadcast_in_dim3A_314 = arith.constant true
        %broadcast_in_dim3A_315 = vector.broadcast %broadcast_in_dim3A_314 : i1 to vector<16xi1>
        %masked_cumsum3A = tpu.scan <sum>, %get3A_309 masked %broadcast_in_dim3A_315 : vector<16xi32>, vector<16xi1> -> vector<16xi32>
        %reduce_max3A = arith.constant true
        %reduce_max3A_316 = vector.broadcast %reduce_max3A : i1 to vector<16xi1>
        %reduce_max3A_317 = arith.constant -2147483648 : i32
        %reduce_max3A_318 = vector.broadcast %reduce_max3A_317 : i32 to vector<16xi32>
        %reduce_max3A_319 = arith.xori %masked_cumsum3A, %reduce_max3A_318 : vector<16xi32>
        %reduce_max3A_320 = tpu.scan <max>, %reduce_max3A_319 masked %reduce_max3A_316 : vector<16xi32>, vector<16xi1> -> vector<16xi32>
        %reduce_max3A_321 = arith.xori %reduce_max3A_320, %reduce_max3A_318 : vector<16xi32>
        %reduce_max3A_322 = vector.extract %reduce_max3A_321[15] : i32 from vector<16xi32>
        %add3A_323 = vector.broadcast %scan3A_304 : i32 to vector<16xi32>
        %add3A_324 = arith.addi %add3A_323, %masked_cumsum3A : vector<16xi32>
        %ge3A = vector.broadcast %sub3A_239 : i32 to vector<16xi32>
        %ge3A_325 = arith.cmpi sge, %add3A_324, %ge3A : vector<16xi32>
        %convert_element_type3A_326 = arith.extui %ge3A_325 : vector<16xi1> to vector<16xi32>
        %reduce_sum3A = arith.constant true
        %reduce_sum3A_327 = vector.broadcast %reduce_sum3A : i1 to vector<16xi1>
        %reduce_sum3A_328 = tpu.scan <sum>, %convert_element_type3A_326 masked %reduce_sum3A_327 : vector<16xi32>, vector<16xi1> -> vector<16xi32>
        %reduce_sum3A_329 = vector.extract %reduce_sum3A_328[15] : i32 from vector<16xi32>
        %sub3A_330 = arith.constant 16 : i32
        %sub3A_331 = arith.subi %sub3A_330, %reduce_sum3A_329 : i32
        %ge3A_332 = arith.constant 1024 : i32
        %ge3A_333 = arith.cmpi sge, %scan3A_305, %ge3A_332 : i32
        %lt3A_334 = arith.constant 16 : i32
        %lt3A_335 = arith.cmpi slt, %sub3A_331, %lt3A_334 : i32
        %and3A_336 = arith.andi %ge3A_333, %lt3A_335 : i1
        %lt3A_337 = vector.broadcast %sub3A_331 : i32 to vector<16xi32>
        %lt3A_338 = arith.cmpi slt, %iota3A, %lt3A_337 : vector<16xi32>
        %jit3A_339 = arith.constant 0 : i32
        %broadcast_in_dim3A_340 = vector.broadcast %jit3A_339 : i32 to vector<16xi32>
        %select_n3A_341 = arith.select %lt3A_338, %get3A_309, %broadcast_in_dim3A_340 : vector<16xi1>, vector<16xi32>
        %reduce_sum3A_342 = arith.constant true
        %reduce_sum3A_343 = vector.broadcast %reduce_sum3A_342 : i1 to vector<16xi1>
        %reduce_sum3A_344 = tpu.scan <sum>, %select_n3A_341 masked %reduce_sum3A_343 : vector<16xi32>, vector<16xi1> -> vector<16xi32>
        %reduce_sum3A_345 = vector.extract %reduce_sum3A_344[15] : i32 from vector<16xi32>
        %mul3A_346 = arith.constant 16 : i32
        %mul3A_347 = arith.muli %scan3A_303, %mul3A_346 : i32
        %add3A_348 = arith.addi %mul3A_347, %sub3A_331 : i32
        %select_n3A_349 = arith.select %and3A_336, %add3A_348, %scan3A_305 : i32
        %add3A_350 = arith.addi %scan3A_304, %reduce_sum3A_345 : i32
        %select_n3A_351 = arith.select %and3A_336, %add3A_350, %scan3A_306 : i32
        %add3A_352 = arith.addi %scan3A_304, %reduce_max3A_322 : i32
        scf.yield %add3A_352, %select_n3A_349, %select_n3A_351 : i32, i32, i32
      }
      %scan3A_291 = arith.constant 64 : i32
      %mul3A_292 = arith.constant 1024 : i32
      %mul3A_293 = arith.muli %add3A_242, %mul3A_292 : i32
      %add3A_294 = arith.addi %mul3A_293, %scan3A_290#1 : i32
      %scan3A_295 = arith.constant 0 : i32
      %scan3A_296 = arith.constant 0 : i32
      %scan3A_297 = arith.constant 512 : i32
      %scan3A_298 = arith.addi %scan3A_296, %scan3A_297 : i32
      %scan3A_299 = arith.constant 1 : i32
      %scan3A_300 = scf.for %scan3A_303 = %scan3A_296 to %scan3A_298 step %scan3A_299 iter_args(%scan3A_304 = %scan3A_295) -> (i32)  : i32 {
        %mul3A_305 = arith.constant 16 : i32
        %mul3A_306 = arith.muli %scan3A_303, %mul3A_305 : i32
        %get3A = arith.index_cast %mul3A_306 : i32 to index
        %get3A_307 = tpu.vector_load %arg7[%get3A] {strides = array<i32>} : memref<8192xi32, #tpu.memory_space<vmem>>, vector<16xi32>,
        %le3A = vector.broadcast %add3A_294 : i32 to vector<16xi32>
        %le3A_308 = arith.cmpi sle, %get3A_307, %le3A : vector<16xi32>
        %convert_element_type3A_309 = arith.extui %le3A_308 : vector<16xi1> to vector<16xi32>
        %convert_element_type3A_310 = arith.sitofp %convert_element_type3A_309 : vector<16xi32> to vector<16xf32>
        %mul3A_311 = arith.constant 16 : i32
        %mul3A_312 = arith.muli %scan3A_303, %mul3A_311 : i32
        %swap3A_313 = arith.index_cast %mul3A_312 : i32 to index
        %swap3A_314 = tpu.vector_load %arg10[%swap3A_313] {strides = array<i32>} : memref<8192xf32, #tpu.memory_space<vmem>>, vector<16xf32>,
        tpu.vector_store %arg10[%swap3A_313], %convert_element_type3A_310 {strides = array<i32>} : memref<8192xf32, #tpu.memory_space<vmem>>, vector<16xf32>,
        %scan3A_315 = arith.constant 0 : i32
        scf.yield %scan3A_315 : i32
      }
      %scan3A_301 = arith.constant 512 : i32
      "tpu.region"() ({
        %run_scoped3A = tpu.sem_alloc : memref<!tpu.dma_semaphore, #tpu.memory_space<semaphore_mem>>
        %dma_start3A_303 = arith.constant 0 : i32
        %dma_start3A_304 = tpu.memref_slice %arg4[%add3A_182, %dma_start3A_303] : memref<256x8192xf32, #tpu.memory_space<hbm>> -> memref<1x8192xf32, #tpu.memory_space<hbm>>
        %dma_start3A_305 = tpu.memref_squeeze %dma_start3A_304 : memref<1x8192xf32, #tpu.memory_space<hbm>> -> memref<8192xf32, #tpu.memory_space<hbm>>
        %dma_start3A_306 = arith.constant 0 : i32
        %dma_start3A_307 = tpu.memref_slice %arg4[%add3A_182, %dma_start3A_306] : memref<256x8192xf32, #tpu.memory_space<hbm>> -> memref<1x8192xf32, #tpu.memory_space<hbm>>
        %dma_start3A_308 = tpu.memref_squeeze %dma_start3A_307 : memref<1x8192xf32, #tpu.memory_space<hbm>> -> memref<8192xf32, #tpu.memory_space<hbm>>
        tpu.enqueue_dma source(%arg10 : memref<8192xf32, #tpu.memory_space<vmem>>) target(%dma_start3A_308 : memref<8192xf32, #tpu.memory_space<hbm>>) target_semaphore(%run_scoped3A : memref<!tpu.dma_semaphore, #tpu.memory_space<semaphore_mem>>)
        %dma_wait3A_309 = arith.constant 0 : i32
        %dma_wait3A_310 = tpu.memref_slice %arg4[%add3A_182, %dma_wait3A_309] : memref<256x8192xf32, #tpu.memory_space<hbm>> -> memref<1x8192xf32, #tpu.memory_space<hbm>>
        %dma_wait3A_311 = tpu.memref_squeeze %dma_wait3A_310 : memref<1x8192xf32, #tpu.memory_space<hbm>> -> memref<8192xf32, #tpu.memory_space<hbm>>
        %dma_wait3A_312 = arith.constant 0 : i32
        %dma_wait3A_313 = tpu.memref_slice %arg4[%add3A_182, %dma_wait3A_312] : memref<256x8192xf32, #tpu.memory_space<hbm>> -> memref<1x8192xf32, #tpu.memory_space<hbm>>
        %dma_wait3A_314 = tpu.memref_squeeze %dma_wait3A_313 : memref<1x8192xf32, #tpu.memory_space<hbm>> -> memref<8192xf32, #tpu.memory_space<hbm>>
        tpu.wait_dma2 semaphore(%run_scoped3A : memref<!tpu.dma_semaphore, #tpu.memory_space<semaphore_mem>>) src(%arg10 : memref<8192xf32, #tpu.memory_space<vmem>>) dst(%dma_wait3A_314 : memref<8192xf32, #tpu.memory_space<hbm>>)
        tpu.yield
      }) : () -> ()
      %scan3A_302 = arith.constant 0 : i32
      scf.yield %scan3A_302 : i32
    }
    %scan3A_30 = arith.constant 4 : i32
    return
  }
}

</mosaic_0001>

<sc_bundles>
// kernel: kernel.3.cloned.1.call-start
scs
__scs_entry_jumppad:
0x0: {  	(pc) =	sbr.rel $0x88, $3  }
0x1: {  	(tag) =	ssettag $0x0;
	lr =	simm.s32 $0x1  }
0x2: {  	[smem:$0x3FA0] =	sst lr;
	_ =	strace $0xD0000000  }
0x3: {  	_ = 	snop  }
0x4: {  	_ = 	snop  }
0x5: {  	_ = 	snop  }
0x6: {  	_ = 	snop  }
0x7: {  	_ = 	snop  }
__scs_overlays_trampoline_lowered:
0x8: {  	[smem:$0x3FAF] =	sst s0  }
0x9: {  	[smem:$0x3FB0] =	sst s1  }
0xa: {  	[smem:$0x3FB1] =	sst s2  }
0xb: {  	[smem:$0x3FB2] =	sst s3  }
0xc: {  	[smem:$0x3FB3] =	sst s4  }
0xd: {  	[smem:$0x3FB4] =	sst s5  }
0xe: {  	[smem:$0x3FB5] =	sst s6  }
0xf: {  	[smem:$0x3FB6] =	sst s7  }
0x10: {  	[smem:$0x3FB7] =	sst s8  }
0x11: {  	[smem:$0x3FB8] =	sst s9;
	s0 =	simm.s32 @!p0 $0x0  }
0x12: {  	s1 =	sld [smem:$0x3F9E];
	s0 =	simm.s32 @p0 $0x1  }
0x13: {  	[smem:$0x3FB9] =	sst s0;
	s0 =	simm.s32 @!p1 $0x0  }
0x14: {  	s2 =	sld [smem:$0x3F9D];
	s0 =	simm.s32 @p1 $0x1  }
0x15: {  	[smem:$0x3FBA] =	sst s0;
	s0 =	simm.s32 @!p2 $0x0  }
0x16: {  	s3 =	sld [smem:$0x3FDB];
	s0 =	simm.s32 @p2 $0x1  }
0x17: {  	s4 =	simm.s32 $0x1BF5;
	[smem:$0x3FBC] =	sst s0  }
0x18: {  	s0 =	sld [smem:$0x3F9F];
	_ =	swait.ge [sflag:s4], $0x0  }
0x19: {  	s7 =	sld [smem:$0x3FA0]  }
0x1a: {  	s8 =	sadd.s32 $0xFFFFE003, lr  }
0x1b: {  	s9 =	sadd.s32 $0xFFFFFEF7, lr;
	s5 =	simm.s32 $0xFFFFFFFF;
	p2 =	slt.u32 s8, $0xFFFFF086  }
0x1c: {  	p1 =	slt.u32 s9, $0xF7A;
	s5 =	simm.s32 @!p2 $0x0  }
0x1d: {  	s5 =	simm.s32 @p1 $0x1;
	p0 =	seq.s32 s7, s2  }
0x1e: {  	s7 =	smul.u32 @!p0 $0xF7A, s2;
	p2 =	seq.s32 @!p0 s5, $0x0  }
0x1f: {  	s9 =	smul.u32 $0xF7A, s1;
	s8 =	simm.s32 @!p0 $0x1BF5;
	p2 =	por !p2, p0  }
0x20: {  	[sflag:s8] =	ssyncset.s32 @!p0 $0xFFFFF086;
	s6 =	sadd.s32 @!p0 s3, s7;
	s7 =	simm.s32 @!p0 $0x108  }
0x21: {  	s3 =	sadd.s32 s3, s9;
	s6 =	sadd.s32 @!p0 $0x88, s6;
	s7 =	simm.s32 @p2 $0x1082  }
0x22: {  	[simem:s7], [sflag:s8] =	dma.local @!p0 [hbm:s6], $0xF7A  }
0x23: {  	s9 =	sor.u32 $0xD0000000, s2;
	s6 =	simm.s32 $0x108;
	_ =	swait.ge @!p0 [sflag:s8], $0x0  }
0x24: {  	s3 =	sadd.s32 $0x88, s3;
	s6 =	simm.s32 @!p1 $0x1082;
	[sflag:s4] =	ssyncset.s32 $0xFFFFF086  }
0x25: {  	[simem:s6], [sflag:s4] =	dma.local [hbm:s3], $0xF7A  }
0x26: {  	[smem:$0x3FA0] =	sst s1;
	(tag) =	ssettag s2;
	_ =	strace s9  }
0x27: {  	s1 =	sld [smem:$0x3FB0]  }
0x28: {  	s2 =	sld [smem:$0x3FB1]  }
0x29: {  	s4 =	sld [smem:$0x3FB3]  }
0x2a: {  	p0 =	seq.s32 s5, $0x0;
	s5 =	sld [smem:$0x3FB4]  }
0x2b: {  	s6 =	sld [smem:$0x3FB5]  }
0x2c: {  	s7 =	sld [smem:$0x3FB6]  }
0x2d: {  	s3 =	simm.s32 $0x108;
	s8 =	sld [smem:$0x3FB7]  }
0x2e: {  	s3 =	simm.s32 @!p0 $0x1082;
	s9 =	sld [smem:$0x3FB8]  }
0x2f: {  	lr =	sadd.s32 s0, s3;
	s0 =	sld [smem:$0x3FAF]  }
0x30: {  	s3 =	sld [smem:$0x3FB2]  }
0x31: {  	[smem:$0x3FBB] =	sst s10  }
0x32: {  	s10 =	sld [smem:$0x3FB9];
	_ =	sdelay $0x3  }
0x33: {  	p0 =	seq.s32 s10, $0x1;
	s10 =	sld [smem:$0x3FBB];
	_ =	sdelay $0x3  }
0x34: {  	[smem:$0x3FBB] =	sst s10  }
0x35: {  	s10 =	sld [smem:$0x3FBA];
	_ =	sdelay $0x3  }
0x36: {  	p1 =	seq.s32 s10, $0x1;
	s10 =	sld [smem:$0x3FBB];
	_ =	sdelay $0x3  }
0x37: {  	[smem:$0x3FBB] =	sst s10  }
0x38: {  	s10 =	sld [smem:$0x3FBC]  }
0x39: {  	_ = 	snop;
	(pc) =	sbr.ind lr, $3  }
0x3a: {  	_ = 	snop  }
0x3b: {  	_ = 	snop  }
0x3c: {  	p2 =	seq.s32 s10, $0x1;
	s10 =	sld [smem:$0x3FBB]  }
0x3d: {  	_ =	shalt  }
0x3e: {  	_ =	shalt  }
0x3f: {  	_ =	shalt  }
0x40: {  	_ =	shalt  }
0x41: {  	_ =	shalt  }
0x42: {  	_ =	shalt  }
0x43: {  	_ =	shalt  }
0x44: {  	_ =	shalt  }
0x45: {  	_ =	shalt  }
0x46: {  	_ =	shalt  }
0x47: {  	_ =	shalt  }
0x48: {  	_ =	shalt  }
0x49: {  	_ =	shalt  }
0x4a: {  	_ =	shalt  }
0x4b: {  	_ =	shalt  }
0x4c: {  	_ =	shalt  }
0x4d: {  	_ =	shalt  }
0x4e: {  	_ =	shalt  }
0x4f: {  	_ =	shalt  }
0x50: {  	_ =	shalt  }
0x51: {  	_ =	shalt  }
0x52: {  	_ =	shalt  }
0x53: {  	_ =	shalt  }
0x54: {  	_ =	shalt  }
0x55: {  	_ =	shalt  }
0x56: {  	_ =	shalt  }
0x57: {  	_ =	shalt  }
0x58: {  	_ =	shalt  }
0x59: {  	_ =	shalt  }
0x5a: {  	_ =	shalt  }
0x5b: {  	_ =	shalt  }
0x5c: {  	_ =	shalt  }
0x5d: {  	_ =	shalt  }
0x5e: {  	_ =	shalt  }
0x5f: {  	_ =	shalt  }
0x60: {  	_ =	shalt  }
0x61: {  	_ =	shalt  }
0x62: {  	_ =	shalt  }
0x63: {  	_ =	shalt  }
0x64: {  	_ =	shalt  }
0x65: {  	_ =	shalt  }
0x66: {  	_ =	shalt  }
0x67: {  	_ =	shalt  }
0x68: {  	_ =	shalt  }
0x69: {  	_ =	shalt  }
0x6a: {  	_ =	shalt  }
0x6b: {  	_ =	shalt  }
0x6c: {  	_ =	shalt  }
0x6d: {  	_ =	shalt  }
0x6e: {  	_ =	shalt  }
0x6f: {  	_ =	shalt  }
0x70: {  	_ =	shalt  }
0x71: {  	_ =	shalt  }
0x72: {  	_ =	shalt  }
0x73: {  	_ =	shalt  }
0x74: {  	_ =	shalt  }
0x75: {  	_ =	shalt  }
0x76: {  	_ =	shalt  }
0x77: {  	_ =	shalt  }
0x78: {  	_ =	shalt  }
0x79: {  	_ =	shalt  }
0x7a: {  	_ =	shalt  }
0x7b: {  	_ =	shalt  }
0x7c: {  	_ =	shalt  }
0x7d: {  	_ =	shalt  }
0x7e: {  	_ =	shalt  }
0x7f: {  	_ =	shalt  }
0x80: {  	_ =	shalt  }
0x81: {  	_ =	shalt  }
0x82: {  	_ =	shalt  }
0x83: {  	_ =	shalt  }
0x84: {  	_ =	shalt  }
0x85: {  	_ =	shalt  }
0x86: {  	_ =	shalt  }
0x87: {  	_ =	shalt  }
.Lfunc_end0:
.L_simem_size_0:
called_computation_lowered:
.L_overlay_start_0:
0x88: {  	s2 =	sld [smem:$0x3FD9]  }
0x89: {  	s3 =	sld [smem:$0x3FFE];
	_ =	sdelay $0x1  }
0x8a: {  	s1 =	srdreg.scid  }
0x8b: {  	s0 =	sand.u32 $0x1, s1  }
0x8c: {  	s17 =	sshll.u32 s0, $0xA;
	s2 =	sadd.s32 s3, s2  }
0x8d: {  	s2 =	sadd.s32 s2, s17  }
0x8e: {  	[smem:$0x3FC7] =	sst s2  }
0x8f: {  	_ = 	snop  }
0x90: {  	s2 =	sld [smem:$0x3FD0];
	(tm) =	ssettm $0x1  }
0x91: {  	s18 =	sld [smem:$0x3FFB];
	_ =	sdelay $0x3  }
0x92: {  	_ =	strace s18  }
0x93: {  	s3 =	sld [smem:$0x3FFC];
	_ =	sdelay $0x3  }
0x94: {  	_ =	strace s3  }
0x95: {  	s3 =	sld [smem:$0x3FFD];
	_ =	sdelay $0x3  }
0x96: {  	_ =	strace s3  }
0x97: {  	_ =	strace $0x8FFFFFFF  }
0x98: {  	s19 =	sld [smem:$0x3FDB];
	_ =	sdelay $0x1  }
0x99: {  	s4 =	simm.s32 $_scs_section_size  }
0x9a: {  	s5 =	simm.s32 $_size__tile_overlayer_lowered;
	s6 =	simm.s32 $_tile_overlayer_lowered  }
0x9b: {  	s22 =	simm.s32 $0x1BFF;
	s21 =	sshll.u32 s6, $0x1;
	s3 =	sadd.s32 s4, s19  }
0x9c: {  	s7 =	simm.s32 $0x0;
	s20 =	sshll.u32 s5, $0x1;
	s5 =	sadd.s32 s21, s3  }
0x9d: {  	[timem:s7], [sflag:s22] =	dma.local [hbm:s5], s20  }
0x9e: {  	_ =	swait.ge [sflag:s22], s20  }
0x9f: {  	s4 =	ssub.s32 $0x0, s20;
	[sflag:s22] =	ssyncset.done $0x0  }
0xa0: {  	[sflag:s22] =	ssyncadd.s32 s4;
	_ =	sdelay $0x1  }
0xa1: {  	s23 =	simm.s32 $0x1B8B  }
0xa2: {  	_ =	swait.ge [sflag:s23], $0x1  }
0xa3: {  	[sflag:s23] =	ssyncset.done $0x0  }
0xa4: {  	s25 =	simm.s32 $0x1B8E;
	s24 =	sld [smem:$0x3FFE];
	[sflag:s23] =	ssyncadd.s32 $0xFFFFFFFF  }
0xa5: {  	s26 =	simm.s32 $execute0_lowered;
	[smem:$0x3FD2] =	sst s25  }
0xa6: {  	s5 =	sshll.u32 s26, $0x1;
	_ =	strace $0x80000046;
	[dreg:$0x1] =	wrdreg $0xFFFFFFFF  }
0xa7: {  	s28 =	simm.s32 $_size_execute0_lowered;
	s3 =	sadd.s32 s3, s5;
	[dreg:$0x0] =	wrdreg $0x0  }
0xa8: {  	s5 =	sshll.u32 s28, $0x1;
	[dreg:$0x2] =	wrdreg s3  }
0xa9: {  	[dreg:$0x3] =	wrdreg s5  }
0xaa: {  	[dreg:$0x4] =	wrdreg $0xC0  }
0xab: {  	_ =	task [dreg:s7], $0x5FFFF  }
0xac: {  	[dreg:$0x1] =	wrdreg $0xFFFFFFFF  }
0xad: {  	[dreg:$0x0] =	wrdreg $0x60  }
0xae: {  	[dreg:$0x2] =	wrdreg s24  }
0xaf: {  	[dreg:$0x3] =	wrdreg s2  }
0xb0: {  	[dreg:$0x4] =	wrdreg $0x9  }
0xb1: {  	_ =	task.clear_ibuf [dreg:s7], $0x5FFFF;
	_ =	strace $0x90000046  }
0xb2: {  	s29 =	simm.s32 $0x9;
	_ =	strace $0x80000048  }
0xb3: {  	_ =	swait.ge [sflag:s29], $0x1  }
0xb4: {  	[sflag:s29] =	ssyncadd.s32 $0xFFFFFFFF  }
0xb5: {  	_ =	strace $0x90000048  }
0xb6: {  	_ =	sfence  }
0xb7: {  	s30 =	sld [smem:$0x0];
	_ =	sdelay $0x2  }
0xb8: {  	s31 =	sshll.u32 s1, $0xD;
	s1 =	sshrl.u32 s1, $0x2  }
0xb9: {  	s3 =	sand.u32 $0x4000, s31;
	s1 =	sadd.s32 s1, s30  }
0xba: {  	s0 =	sor.u32 s3, s0;
	s1 =	sshll.u32 s1, $0x11  }
0xbb: {  	s0 =	sor.u32 s1, s0  }
0xbc: {  	s0 =	sadd.s32 $0x8F2B, s0  }
0xbd: {  	[sflag:s0] =	ssyncadd.remote.s32 $0x1  }
0xbe: {  	_ =	sfence.sel $0xFFFF  }
0xbf: {  	[dreg:$0x0] =	wrdreg $0xFFFFFFFF;
	(pc) =	sbr.abs _section_cstart, $3  }
0xc0: {  	[dreg:$0x1] =	wrdreg $0xFFFFFFFF  }
0xc1: {  	_ =	task.clear_ibuf [dreg:s7], $0x2FFFF;
	_ =	strace $0x9FFFFFFF  }
0xc2: {  	(tm) =	ssettm $0x7FFFFFFF  }
0xc3: {  	_ =	shalt  }
tec
execute0_lowered:
.L_overlay_start_1:
0x0: {  	(tag) =	ssettag $0x1  }
0x1: {  	s0 =	rddreg [dreg:$0x0]  }
0x2: {  	s1 =	srdreg.scid;
	s2 =	stileid.u32  }
0x3: {  	s4 =	simm.s32 $0x0;
	s1 =	sand.u32 $0x1, s1;
	s2 =	sshll.u32 s2, $0x4  }
0x4: {  	[smem:$0x7FF] =	sst s4;
	s6 =	sadd.s32 $0x600, s0;
	s7 =	sadd.s32 $0xC0600, s0  }
0x5: {  	s3 =	sshll.u32 s1, $0x3;
	_ =	strace $0x80000047;
	s1 =	ssub.s32 $0x2, s1  }
0x6: {  	v0 =	vimm.s32 $0x24924924;
	[dreg:$0x4] =	wrdreg s6;
	s5 =	sor.u32 s3, s2;
	s25 =	sshrl.u32 s1, $0x1  }
0x7: {  	v0 =	vunpack.c.l.s2.s4 v0;
	[dreg:$0x5] =	wrdreg s7;
	s2 =	sshrl.u32 s5, $0x3;
	s28 =	ssub.s32 s1, s25  }
0x8: {  	s29 =	sshll.u32 s5, $0xA;
	[dreg:$0x3] =	wrdreg s5;
	s31 =	sshll.u32 s5, $0xD  }
0x9: {  	v1 =	vunpack.c.l.s4.s8 v0;
	s26 =	smul.u32 $0x6000, s2;
	s1 =	sadd.s32 s7, s29;
	[dreg:$0x9] =	wrdreg s31  }
0xa: {  	v0 =	vlaneseq.u32;
	s2 =	smul.u32 $0x30000, s2;
	s0 =	smax.u32 s28, $0x1;
	[dreg:$0x8] =	wrdreg s1  }
0xb: {  	s18 =	simm.s32 $0xE000;
	s4 =	simm.s32 $0x400;
	v3 =	vunpack.c.0.s8.s32 v1;
	v1 =	vmul.u32 $0x3, v0;
	[dreg:$0xa] =	wrdreg s0  }
0xc: {  	v2 =	vimm.s32 $0x0;
	v6 =	vimm.s32 $0x1;
	v7 =	vimm.s32 $0xFFFFFFFF;
	s3 =	simm.s32 $0x80;
	s30 =	sadd.s32 s6, s26;
	[dreg:$0x7] =	wrdreg s2  }
0xd: {  	s5 =	simm.s32 $0x6000;
	s1 =	simm.s32 $0x0;
	v3 =	vand.u32 $0x3, v3;
	v4 =	vadd.s32 $0x1, v1;
	v5 =	vadd.s32 $0x2, v1;
	[dreg:$0x6] =	wrdreg s30  }
.LBB2_1:
0xe: {  	[dreg:$0xb] =	wrdreg s1  }
0xf: {  	s0 =	rddreg [dreg:$0x1]  }
0x10: {  	s30 =	simm.s32 $0x0;
	s2 =	simm.s32 $0xE800;
	s31 =	simm.s32 $0x3  }
0x11: {  	[tilespmem:s2], [sflag:$0x3] =	stream.linear.gather [hbm4b:s0+s30], $0x100, $0x38;
	[tilespmem:$0x12980] =	vst v63  }
0x12: {  	_ =	swait.ge [sflag:s31], $0x100  }
0x13: {  	[sflag:s31] =	ssyncset.done $0x0  }
0x14: {  	s1 =	simm.s32 $0x0;
	s0 =	simm.s32 $0x40;
	[sflag:s31] =	ssyncadd.s32 $0xFFFFFF00  }
.LBB2_2:
0x15: {  	p0 =	sne.s32 s0, $0x1FC0;
	[tilespmem:s1+$0xE000] =	vst v2;
	s1 =	smov.u32 s0;
	s0 =	sadd.s32 $0x40, s0  }
.Ltmp0:
0x16: {  	(pc) =	sbr.rel @p0 .LBB2_2-.Ltmp0, $2  }
0x17: {  	_ =	sdelay $0x2  }
0x18: {  	s1 =	sshra.s32 s1, $0x2  }
0x19: {  	[tilespmem:s1+$0xE000] =	vst v2;
	s31 =	simm.s32 $0x0;
	s0 =	rddreg [dreg:$0x6];
	s12 =	simm.s32 $0x0  }
0x1a: {  	[tilespmem:s31], [sflag:$0x1] =	stream.strided.gather [hbm4b:s0+s3], $0x6000, s4, s3, $0x38;
	[tilespmem:$0x12980] =	vst v63  }
.LBB2_4:
0x1b: {  	s1 =	sshll.u32 s12, $0x1;
	s0 =	rddreg [dreg:$0x3]  }
0x1c: {  	[dreg:$0xc] =	wrdreg s12;
	s0 =	sor.u32 s0, s1  }
0x1d: {  	s24 =	sshllo.u32 s12, $0x1;
	[dreg:$0xe] =	wrdreg s1;
	v8 =	vmov s0  }
0x1e: {  	s25 =	simm.s32 $0x1;
	[dreg:$0xf] =	wrdreg s24;
	v8 =	vand.u32 $0xFFFFFFFE, v8  }
0x1f: {  	_ =	swait.ge [sflag:s25], $0x6000;
	v8 =	vbroadcast v8, $0x0  }
0x20: {  	s2 =	sshll.u32 s24, $0x7;
	s26 =	rddreg [dreg:$0x7]  }
0x21: {  	s0 =	sadd.s32 s26, s2  }
0x22: {  	[sflag:s25] =	ssyncset.done $0x0;
	s28 =	rddreg [dreg:$0x4];
	s0 =	sshrl.u32 s0, $0x3  }
0x23: {  	s29 =	simm.s32 $0xE800;
	[sflag:s25] =	ssyncadd.s32 $0xFFFFA000;
	s0 =	sadd.s32 s28, s0  }
0x24: {  	[tilespmem:s5], [sflag:$0x2] =	stream.strided.gather [hbm4b:s0+s3], $0x6000, s4, s3, $0x38;
	[tilespmem:$0x12980] =	vst v63  }
0x25: {  	v8 =	vld.idx.msk [tilespmem:v8+s29+$0x0], $0xffff;
	_ =	sdelay $0x4  }
0x26: {  	(v2sf) =	vpush v8, $0x0;
	_ =	sdelay $0xe  }
0x27: {  	s30 =	spop (v2sf)  }
0x28: {  	s0 =	smul.u32 $0x3, s30;
	_ =	sdelay $0x1  }
0x29: {  	v8 =	vadd.s32 s0, v3;
	_ =	sdelay $0x3  }
0x2a: {  	s31 =	simm.s32 $0x0  }
0x2b: {  	v10 =	vld.idx.msk [tilespmem:v8+s31+$0x0], $0xffff;
	_ =	sdelay $0x4  }
0x2c: {  	v8 =	vbroadcast v10, $0x0  }
0x2d: {  	s1 =	simm.s32 $0x0;
	[dreg:$0xd] =	wrdreg s2;
	s0 =	simm.s32 $0xC000;
	v9 =	vbroadcast v10, $0x1;
	v10 =	vbroadcast v10, $0x2  }
.LBB2_5:
0x2e: {  	v11 =	vadd.s32 s1, v1  }
0x2f: {  	v12 =	vadd.s32 s1, v4;
	_ =	sdelay $0x1  }
0x30: {  	v13 =	vadd.s32 s1, v5  }
0x31: {  	s29 =	simm.s32 $0x0  }
0x32: {  	v11 =	vld.idx.msk [tilespmem:v11+s29+$0x0], $0xffff  }
0x33: {  	v12 =	vld.idx.msk [tilespmem:v12+s29+$0x0], $0xffff;
	_ =	sdelay $0x1  }
0x34: {  	v13 =	vld.idx.msk [tilespmem:v13+s29+$0x0], $0xffff;
	_ =	sdelay $0x2  }
0x35: {  	v11 =	vsub.f32 v11, v8;
	v12 =	vsub.f32 v12, v9;
	_ =	sdelay $0x1  }
0x36: {  	v13 =	vsub.f32 v13, v10;
	v11 =	vmul.f32 v11, v11;
	v12 =	vmul.f32 v12, v12;
	_ =	sdelay $0x1  }
0x37: {  	v63 =	vmul.f32 v13, v13;
	v11 =	vadd.f32 v12, v11;
	_ =	sdelay $0x1  }
0x38: {  	v11 =	vadd.f32 v63, v11;
	_ =	sdelay $0x1  }
0x39: {  	p0 =	sne.s32 s1, $0x5FD0;
	v12 =	vshrl.u32 v11, $0x15  }
.Ltmp1:
0x3a: {  	_ = 	snop;
	(pc) =	sbr.rel @p0 .LBB2_5-.Ltmp1, $3  }
0x3b: {  	_ =	sdelay $0x1  }
0x3c: {  	s2 =	simm.s32 $0xE000;
	[tilespmem:s0+$0x0] =	vst v11  }
0x3d: {  	s1 =	sadd.s32 $0x30, s1;
	s0 =	sadd.s32 $0x10, s0;
	[tilespmem:v12+s2+$0x0] =	vst.idx.add.s32.msk $0xffff, v6  }
0x3e: {  	v8 =	vld [tilespmem:s2+$0x0];
	_ =	sdelay $0x4  }
0x3f: {  	(xrf0) =	vadd.scan.msk.s32 $0xffff, v8;
	_ =	sdelay $0x3  }
0x40: {  	[tilespmem:s2+$0x0] =	vst v2;
	s0 =	simm.s32 $0xE010  }
0x41: {  	v14 =	vld [tilespmem:s0+$0x0]  }
0x42: {  	v9, _, _ =	vpop (xrf0)  }
0x43: {  	v10 =	vxor.u32 $0x80000000, v9  }
0x44: {  	(xrf0) =	vmax.scan.msk.u32 $0xffff, v10;
	_ =	sdelay $0x1  }
0x45: {  	(xrf0) =	vadd.scan.msk.s32 $0xffff, v14;
	_ =	sdelay $0x3  }
0x46: {  	s15 =	simm.s32 $0xE020;
	[tilespmem:s0+$0x0] =	vst v2;
	v10, _, _ =	vpop (xrf0)  }
0x47: {  	v13 =	vld [tilespmem:s15+$0x0];
	(v2sf) =	vpush v10, $0xF  }
0x48: {  	v10, _, _ =	vpop (xrf0)  }
0x49: {  	v11 =	vxor.u32 $0x80000000, v10  }
0x4a: {  	(xrf0) =	vmax.scan.msk.u32 $0xffff, v11;
	_ =	sdelay $0x1  }
0x4b: {  	(xrf0) =	vadd.scan.msk.s32 $0xffff, v13  }
0x4c: {  	v9 =	vadd.s32 s29, v9  }
0x4d: {  	vm0 =	vgt.s32 v9, $0x1332  }
0x4e: {  	v12 =	vsel vm0, $0x1, v2  }
0x4f: {  	s16 =	simm.s32 $0xE030;
	[tilespmem:s15+$0x0] =	vst v2;
	(xrf0) =	vadd.scan.msk.s32 $0xffff, v12;
	v9, _, _ =	vpop (xrf0)  }
0x50: {  	v11 =	vld [tilespmem:s16+$0x0];
	(v2sf) =	vpush v9, $0xF  }
0x51: {  	v9, _, _ =	vpop (xrf0)  }
0x52: {  	v12 =	vxor.u32 $0x80000000, v9;
	_ =	sdelay $0x1  }
0x53: {  	(xrf0) =	vmax.scan.msk.u32 $0xffff, v12  }
0x54: {  	(xrf0) =	vadd.scan.msk.s32 $0xffff, v11;
	v12, _, _ =	vpop (xrf0);
	s1 =	spop (v2sf)  }
0x55: {  	(v2sf) =	vpush v12, $0xF;
	s1 =	sadd.s32 $0x0, s1  }
0x56: {  	s30 =	sadd.s32 $0x80000000, s1  }
0x57: {  	s17 =	simm.s32 $0xE040;
	[tilespmem:s16+$0x0] =	vst v2;
	v12 =	vadd.s32 s30, v10  }
0x58: {  	v10 =	vld [tilespmem:s17+$0x0];
	vm8 =	vgt.s32 v12, $0x1332  }
0x59: {  	v15, _, _ =	vpop (xrf0);
	v12 =	vsel vm8, $0x1, v2  }
0x5a: {  	v16, _, _ =	vpop (xrf0);
	(v2sf) =	vpush v15, $0xF;
	(xrf0) =	vadd.scan.msk.s32 $0xffff, v12  }
0x5b: {  	v12 =	vxor.u32 $0x80000000, v16  }
0x5c: {  	(xrf0) =	vmax.scan.msk.u32 $0xffff, v12  }
0x5d: {  	(xrf0) =	vadd.scan.msk.s32 $0xffff, v10  }
0x5e: {  	s19 =	spop (v2sf)  }
0x5f: {  	s1 =	sadd.s32 s19, s30  }
0x60: {  	s31 =	sadd.s32 $0x80000000, s1;
	v12, _, _ =	vpop (xrf0)  }
0x61: {  	v9 =	vadd.s32 s31, v9;
	(v2sf) =	vpush v12, $0xF  }
0x62: {  	s20 =	simm.s32 $0xE050;
	[tilespmem:s17+$0x0] =	vst v2;
	v15, _, _ =	vpop (xrf0);
	vm9 =	vgt.s32 v9, $0x1332  }
0x63: {  	v12 =	vld [tilespmem:s20+$0x0];
	v9 =	vsel vm9, $0x1, v2;
	v17, _, _ =	vpop (xrf0);
	(v2sf) =	vpush v15, $0xF  }
0x64: {  	s21 =	spop (v2sf);
	(xrf0) =	vadd.scan.msk.s32 $0xffff, v9;
	v9 =	vxor.u32 $0x80000000, v17  }
0x65: {  	s3 =	ssub.s32 $0x10, s21;
	(xrf0) =	vmax.scan.msk.u32 $0xffff, v9  }
0x66: {  	v9 =	vmov s3  }
0x67: {  	vm10 =	vgt.s32 v9, v0  }
0x68: {  	(xrf0) =	vadd.scan.msk.s32 $0xffff, v12;
	v8 =	vnsel vm10, $0x0, v8  }
0x69: {  	s22 =	spop (v2sf)  }
0x6a: {  	s1 =	sadd.s32 s22, s31;
	v9, _, _ =	vpop (xrf0)  }
0x6b: {  	s23 =	simm.s32 $0xE060;
	[tilespmem:s20+$0x0] =	vst v2;
	s0 =	sadd.s32 $0x80000000, s1;
	(xrf0) =	vadd.scan.msk.s32 $0xffff, v8;
	(v2sf) =	vpush v9, $0xF;
	v8, _, _ =	vpop (xrf0)  }
0x6c: {  	v9 =	vadd.s32 s0, v16;
	(v2sf) =	vpush v8, $0xF;
	v8 =	vld [tilespmem:s23+$0x0]  }
0x6d: {  	vm11 =	vgt.s32 v9, $0x1332  }
0x6e: {  	v9 =	vsel vm11, $0x1, v2;
	v15, _, _ =	vpop (xrf0)  }
0x6f: {  	(xrf0) =	vadd.scan.msk.s32 $0xffff, v9;
	v9 =	vxor.u32 $0x80000000, v15  }
0x70: {  	(xrf0) =	vmax.scan.msk.u32 $0xffff, v9;
	s4 =	spop (v2sf)  }
0x71: {  	v16, _, _ =	vpop (xrf0);
	(xrf0) =	vadd.scan.msk.s32 $0xffff, v8;
	s6 =	ssub.s32 $0x10, s4  }
0x72: {  	s5 =	spop (v2sf);
	v9 =	vmov s6  }
0x73: {  	(v2sf) =	vpush v16, $0xF;
	s5 =	sadd.s32 s5, s0;
	vm12 =	vgt.s32 v9, v0  }
0x74: {  	s1 =	sadd.s32 $0x80000000, s5;
	v14 =	vnsel vm12, $0x0, v14  }
0x75: {  	v16, _, _ =	vpop (xrf0);
	v17 =	vadd.s32 s1, v17;
	(xrf0) =	vadd.scan.msk.s32 $0xffff, v14  }
0x76: {  	v18, _, _ =	vpop (xrf0);
	vm13 =	vgt.s32 v17, $0x1332  }
0x77: {  	v17 =	vsel vm13, $0x1, v2;
	v14, _, _ =	vpop (xrf0)  }
0x78: {  	(xrf0) =	vadd.scan.msk.s32 $0xffff, v17;
	v17 =	vxor.u32 $0x80000000, v14  }
0x79: {  	s24 =	simm.s32 $0xE070;
	p0 =	por $0x1, $0x1;
	p1 =	slt.s32 s3, $0x10;
	[tilespmem:s23+$0x0] =	vst v2  }
0x7a: {  	s28 =	simm.s32 $0x800;
	p0 =	por !p0, !p1;
	v9 =	vld [tilespmem:s24+$0x0];
	s12 =	spop (v2sf);
	(v2sf) =	vpush v16, $0xF  }
0x7b: {  	s2 =	ssub.s32 $0x10, s21;
	p1 =	por !p0, !p0;
	(xrf0) =	vmax.scan.msk.u32 $0xffff, v17;
	s25 =	spop (v2sf);
	(v2sf) =	vpush v18, $0xF;
	v17, _, _ =	vpop (xrf0)  }
0x7c: {  	s28 =	smov.u32 @p1 s2;
	s13 =	ssub.s32 $0x10, s12;
	s2 =	sadd.s32 s25, s1;
	(v2sf) =	vpush v17, $0xF  }
0x7d: {  	v16 =	vmov s13;
	s14 =	sadd.s32 $0x80000000, s2  }
0x7e: {  	s11 =	simm.s32 $0x30;
	v15 =	vadd.s32 s14, v15  }
0x7f: {  	s10 =	simm.s32 $0x40;
	s9 =	simm.s32 $0x50;
	s8 =	simm.s32 $0x60;
	(xrf0) =	vadd.scan.msk.s32 $0xffff, v9  }
0x80: {  	s7 =	simm.s32 $0x70;
	p5 =	sgt.s32 s28, $0x7FF;
	p2 =	slt.s32 s6, $0x10;
	vm14 =	vgt.s32 v16, v0;
	v16, _, _ =	vpop (xrf0)  }
0x81: {  	s15 =	simm.s32 $0xA0;
	s3 =	simm.s32 $0x90;
	p0 =	por !p5, !p2;
	vm15 =	vgt.s32 v15, $0x1332;
	(v2sf) =	vpush v16, $0xF;
	v15, _, _ =	vpop (xrf0)  }
0x82: {  	p0 =	por !p0, !p0;
	s2 =	ssub.s32 $0x20, s4;
	s26 =	spop (v2sf);
	(v2sf) =	vpush v15, $0xF  }
0x83: {  	p1 =	por p1, p1;
	s6 =	simm.s32 $0x80;
	s28 =	smov.u32 @p0 s2;
	v13 =	vnsel vm14, $0x0, v13  }
0x84: {  	[tilespmem:s24+$0x0] =	vst v2;
	s5 =	simm.s32 $0xE080;
	p3 =	slt.s32 s13, $0x10;
	p6 =	sgt.s32 s28, $0x7FF;
	(xrf0) =	vadd.scan.msk.s32 $0xffff, v13;
	v16 =	vsel vm15, $0x1, v2  }
0x85: {  	s2 =	smov.u32 s14;
	v13 =	vld [tilespmem:s5+$0x0];
	[tilespmem:s5+$0x0] =	vst v2;
	p2 =	por !p6, !p3;
	s19 =	sadd.s32 $0x0, s26;
	v15, _, _ =	vpop (xrf0);
	(xrf0) =	vadd.scan.msk.s32 $0xffff, v16  }
.LBB2_7:
0x86: {  	p3 =	sne.s32 s15, $0x800  }
0x87: {  	s29 =	smov.u32 @p1 s19;
	s4 =	smov.u32 s15;
	s15 =	sadd.s32 $0x10, s15  }
0x88: {  	v17 =	vxor.u32 $0x80000000, v15;
	s13 =	smov.u32 s0;
	s0 =	smov.u32 s1;
	p1 =	por p0, p0  }
0x89: {  	p0 =	por !p2, !p2;
	s1 =	ssub.s32 s11, s12;
	(xrf0) =	vmax.scan.msk.u32 $0xffff, v17;
	s12 =	spop (v2sf)  }
0x8a: {  	s11 =	smov.u32 s10;
	s28 =	smov.u32 @p0 s1;
	s16 =	ssub.s32 $0x10, s12;
	v16, _, _ =	vpop (xrf0)  }
0x8b: {  	p2 =	sgt.s32 s28, $0x7FF;
	(xrf0) =	vadd.scan.msk.s32 $0xffff, v13;
	s1 =	spop (v2sf);
	p4 =	slt.s32 s16, $0x10;
	v17 =	vmov s16;
	(v2sf) =	vpush v16, $0xF  }
0x8c: {  	s10 =	smov.u32 s9;
	s1 =	sadd.s32 s1, s14;
	p2 =	por !p2, !p4;
	vm0 =	vgt.s32 v17, v0  }
.Ltmp2:
0x8d: {  	s9 =	smov.u32 s8;
	s14 =	sadd.s32 $0x80000000, s1;
	v16, _, _ =	vpop (xrf0);
	v17 =	vnsel vm0, $0x0, v11;
	v11 =	vmov v10;
	v10 =	vmov v12;
	(pc) =	sbr.rel @p3 .LBB2_7-.Ltmp2, $4  }
0x8e: {  	s8 =	smov.u32 s7;
	s7 =	smov.u32 s6;
	s6 =	smov.u32 s3;
	v12 =	vmovc v8;
	v8 =	vmov v9;
	v18 =	vadd.s32 s14, v14;
	(v2sf) =	vpush v16, $0xF;
	(xrf0) =	vadd.scan.msk.s32 $0xffff, v17  }
0x8f: {  	s5 =	sadd.s32 $0x10, s5;
	s3 =	smov.u32 s4;
	v9 =	vmov v13;
	s1 =	smov.u32 s2;
	v14 =	vmov v15;
	v16, _, _ =	vpop (xrf0);
	vm0 =	vgt.s32 v18, $0x1332  }
0x90: {  	s2 =	smov.u32 s14;
	v13 =	vld [tilespmem:s5+$0x0];
	(v2sf) =	vpush v16, $0xF;
	v16 =	vsel vm0, $0x1, v2;
	s4 =	spop (v2sf)  }
0x91: {  	[tilespmem:s5+$0x0] =	vst v2;
	v15, _, _ =	vpop (xrf0);
	(xrf0) =	vadd.scan.msk.s32 $0xffff, v16;
	s19 =	sadd.s32 s30, s4;
	s30 =	smov.u32 s31;
	s31 =	smov.u32 s13  }
0x92: {  	v16 =	vxor.u32 $0x80000000, v15  }
0x93: {  	(xrf0) =	vmax.scan.msk.u32 $0xffff, v16;
	_ =	sdelay $0x3  }
0x94: {  	v56, _, _ =	vpop (xrf0)  }
0x95: {  	(v2sf) =	vpush v56, $0xF;
	v57, _, _ =	vpop (xrf0)  }
0x96: {  	(v2sf) =	vpush v57, $0xF;
	v58, _, _ =	vpop (xrf0)  }
0x97: {  	(v2sf) =	vpush v58, $0xF;
	_ =	sdelay $0x6  }
0x98: {  	s4 =	spop (v2sf)  }
0x99: {  	s5 =	spop (v2sf);
	(xrf0) =	vadd.scan.msk.s32 $0xffff, v13  }
0x9a: {  	s13 =	ssub.s32 $0x10, s4;
	s5 =	sadd.s32 s5, s14  }
0x9b: {  	v59 =	vmov s13;
	s21 =	sadd.s32 $0x80000000, s5;
	s16 =	spop (v2sf)  }
0x9c: {  	vm0 =	vgt.s32 v59, v0;
	v14 =	vadd.s32 s21, v14;
	s17 =	spop (v2sf)  }
0x9d: {  	v11 =	vnsel vm0, $0x0, v11;
	vm0 =	vgt.s32 v14, $0x1332;
	s25 =	spop (v2sf)  }
0x9e: {  	(xrf0) =	vadd.scan.msk.s32 $0xffff, v11;
	v11 =	vsel vm0, $0x1, v2;
	s15 =	ssub.s32 $0x10, s17;
	s20 =	sadd.s32 s25, s21;
	s14 =	spop (v2sf)  }
0x9f: {  	(xrf0) =	vadd.scan.msk.s32 $0xffff, v11;
	v60, _, _ =	vpop (xrf0);
	v11 =	vmov s15;
	s22 =	sadd.s32 $0x80000000, s20;
	s23 =	spop (v2sf)  }
0xa0: {  	v61 =	vxor.u32 $0x80000000, v60;
	vm0 =	vgt.s32 v11, v0;
	v11 =	vadd.s32 s22, v15;
	s26 =	spop (v2sf)  }
0xa1: {  	(xrf0) =	vmax.scan.msk.u32 $0xffff, v61;
	v10 =	vnsel vm0, $0x0, v10;
	vm0 =	vgt.s32 v11, $0x1332;
	s24 =	ssub.s32 $0x10, s23;
	s20 =	sadd.s32 s26, s22  }
0xa2: {  	(xrf0) =	vadd.scan.msk.s32 $0xffff, v10;
	v10 =	vsel vm0, $0x1, v2;
	v11 =	vmov s24;
	s20 =	sadd.s32 $0x80000000, s20  }
0xa3: {  	(xrf0) =	vadd.scan.msk.s32 $0xffff, v10;
	v10 =	vadd.s32 s20, v60;
	_ =	sdelay $0x1  }
0xa4: {  	vm0 =	vgt.s32 v11, v0;
	v11, _, _ =	vpop (xrf0)  }
0xa5: {  	v12 =	vnsel vm0, $0x0, v12;
	vm0 =	vgt.s32 v10, $0x1332;
	(v2sf) =	vpush v11, $0xF;
	v10, _, _ =	vpop (xrf0)  }
0xa6: {  	s11 =	ssub.s32 s11, s12;
	p2 =	por !p2, !p2;
	v11 =	vsel vm0, $0x1, v2;
	(xrf0) =	vadd.scan.msk.s32 $0xffff, v12;
	(v2sf) =	vpush v10, $0xF  }
0xa7: {  	s28 =	smov.u32 @p2 s11;
	(xrf0) =	vadd.scan.msk.s32 $0xffff, v11;
	v10, _, _ =	vpop (xrf0)  }
0xa8: {  	s12 =	simm.s32 @!p2 $0x0;
	p4 =	slt.s32 s13, $0x10;
	p3 =	sgt.s32 s28, $0x7FF;
	(v2sf) =	vpush v10, $0xF;
	v10, _, _ =	vpop (xrf0)  }
0xa9: {  	s12 =	simm.s32 @p2 $0x1;
	p2 =	por !p3, !p4;
	(v2sf) =	vpush v10, $0xF;
	v10, _, _ =	vpop (xrf0)  }
0xaa: {  	s4 =	ssub.s32 s10, s4;
	p2 =	por !p2, !p2;
	(v2sf) =	vpush v10, $0xF  }
0xab: {  	s10 =	simm.s32 @!p2 $0x0;
	s28 =	smov.u32 @p2 s4  }
0xac: {  	s10 =	simm.s32 @p2 $0x1;
	p2 =	sgt.s32 s28, $0x7FF;
	p5 =	slt.s32 s15, $0x10;
	v10, _, _ =	vpop (xrf0)  }
0xad: {  	p2 =	por !p2, !p5;
	(v2sf) =	vpush v10, $0xF;
	v10, _, _ =	vpop (xrf0)  }
0xae: {  	p2 =	por !p2, !p2;
	(v2sf) =	vpush v10, $0xF  }
0xaf: {  	s4 =	simm.s32 @!p2 $0x0  }
0xb0: {  	s4 =	simm.s32 @p2 $0x1  }
0xb1: {  	[smem:$0x7FD] =	sst s4;
	s4 =	ssub.s32 s9, s17  }
0xb2: {  	s28 =	smov.u32 @p2 s4  }
0xb3: {  	p2 =	sgt.s32 s28, $0x7FF;
	p6 =	slt.s32 s24, $0x10  }
0xb4: {  	p2 =	por !p2, !p6;
	s4 =	spop (v2sf)  }
0xb5: {  	s5 =	ssub.s32 s8, s23;
	p5 =	por !p2, !p2;
	s15 =	spop (v2sf)  }
0xb6: {  	s28 =	smov.u32 @p5 s5;
	s17 =	ssub.s32 $0x10, s15  }
0xb7: {  	p4 =	sgt.s32 s28, $0x7FF;
	s23 =	spop (v2sf);
	p6 =	slt.s32 s17, $0x10  }
0xb8: {  	s5 =	spop (v2sf);
	p2 =	por !p4, !p6  }
0xb9: {  	s7 =	ssub.s32 s7, s15;
	s24 =	spop (v2sf);
	p6 =	por !p2, !p2  }
0xba: {  	s25 =	ssub.s32 $0x10, s24;
	s28 =	smov.u32 @p6 s7  }
0xbb: {  	s13 =	simm.s32 $0x0;
	p4 =	slt.s32 s25, $0x10;
	p3 =	sgt.s32 s28, $0x7FF  }
0xbc: {  	[smem:$0x7FB] =	sst s12;
	s26 =	spop (v2sf);
	p2 =	por !p3, !p4  }
0xbd: {  	s6 =	ssub.s32 s6, s24;
	s12 =	spop (v2sf);
	p3 =	por !p2, !p2  }
0xbe: {  	v11 =	vld [tilespmem:s13+$0xC000];
	v10 =	vmov s17;
	s15 =	ssub.s32 $0x10, s12;
	s28 =	smov.u32 @p3 s6  }
0xbf: {  	vm0 =	vgt.s32 v10, v0;
	p4 =	slt.s32 s15, $0x10;
	p2 =	sgt.s32 s28, $0x7FF  }
0xc0: {  	v8 =	vnsel vm0, $0x0, v8;
	v10 =	vmov s25;
	p2 =	por !p2, !p4  }
0xc1: {  	(xrf0) =	vadd.scan.msk.s32 $0xffff, v8;
	vm0 =	vgt.s32 v10, v0;
	s3 =	ssub.s32 s3, s12;
	v62 =	vmov s15;
	p2 =	por !p2, !p2  }
0xc2: {  	v8 =	vnsel vm0, $0x0, v9;
	vm0 =	vgt.s32 v62, v0;
	s28 =	smov.u32 @p2 s3  }
0xc3: {  	v10 =	vshrl.u32 v11, $0x15;
	(xrf0) =	vadd.scan.msk.s32 $0xffff, v8;
	v9 =	vnsel vm0, $0x0, v13;
	v8 =	vmov s28  }
0xc4: {  	(xrf0) =	vadd.scan.msk.s32 $0xffff, v9;
	vm0 =	veq.s32 v10, v8  }
0xc5: {  	v9 =	vsel vm0, $0x1, v2  }
0xc6: {  	(xrf0) =	vadd.scan.msk.s32 $0xffff, v9  }
0xc7: {  	v10, _, _ =	vpop (xrf0)  }
0xc8: {  	v63 =	vshrl.u32 v11, $0xA;
	(v2sf) =	vpush v10, $0xF  }
0xc9: {  	v12 =	vand.u32 $0x7FF, v63;
	v10, _, _ =	vpop (xrf0)  }
0xca: {  	(v2sf) =	vpush v10, $0xF;
	v10, _, _ =	vpop (xrf0)  }
0xcb: {  	(v2sf) =	vpush v10, $0xF  }
0xcc: {  	v10, _, _ =	vpop (xrf0)  }
0xcd: {  	[smem:$0x7FC] =	sst s10;
	(v2sf) =	vpush v10, $0xF  }
0xce: {  	s23 =	sld [smem:$0x7FB];
	s3 =	simm.s32 $0x0;
	[tilespmem:v12+s18+$0x0] =	vst.idx.add.s32.msk $0xffff, v9  }
0xcf: {  	s17 =	simm.s32 $0x10;
	s24 =	sld [smem:$0x7FC];
	[tilespmem:s3+$0x10900] =	vst.msk vm0, v11  }
0xd0: {  	s29 =	smov.u32 @p1 s19;
	v9 =	vld [tilespmem:s17+$0xC000]  }
0xd1: {  	p0 =	por p0, p0;
	s0 =	sadd.s32 s0, s4;
	s25 =	sld [smem:$0x7FD]  }
0xd2: {  	p1 =	seq.s32 s24, $0x1;
	s6 =	sadd.s32 s30, s16;
	p4 =	seq.s32 s23, $0x1  }
0xd3: {  	s29 =	smov.u32 @p0 s6;
	s6 =	sadd.s32 s31, s14;
	p0 =	por p4, p4  }
0xd4: {  	p4 =	seq.s32 s25, $0x1;
	s29 =	smov.u32 @p0 s6;
	p0 =	por p1, p1  }
0xd5: {  	s29 =	smov.u32 @p0 s0;
	p0 =	por p4, p4;
	s0 =	sadd.s32 s1, s5;
	v11 =	vshrl.u32 v9, $0x15  }
0xd6: {  	s29 =	smov.u32 @p0 s0;
	v10 =	vshrl.u32 v9, $0xA;
	vm0 =	veq.s32 v11, v8  }
0xd7: {  	p0 =	por p5, p5;
	s0 =	sadd.s32 s2, s26;
	v10 =	vand.u32 $0x7FF, v10;
	v11 =	vsel vm0, $0x1, v2;
	s26 =	spop (v2sf)  }
0xd8: {  	s29 =	smov.u32 @p0 s0;
	p0 =	por p6, p6;
	(xrf0) =	vadd.scan.msk.s32 $0xffff, v11;
	s0 =	sadd.s32 s21, s26  }
0xd9: {  	s30 =	spop (v2sf);
	s29 =	smov.u32 @p0 s0  }
0xda: {  	p0 =	por p3, p3;
	s0 =	sadd.s32 s22, s30;
	s31 =	spop (v2sf)  }
0xdb: {  	s29 =	smov.u32 @p0 s0;
	p0 =	por p2, p2;
	s0 =	sadd.s32 s20, s31  }
0xdc: {  	[tilespmem:v10+s18+$0x0] =	vst.idx.add.s32.msk $0xffff, v11;
	s29 =	smov.u32 @p0 s0;
	s0 =	simm.s32 $0x80;
	s1 =	spop (v2sf)  }
.LBB2_9:
0xdd: {  	p0 =	sne.s32 s0, $0x7FC0  }
0xde: {  	v10, _, _ =	vpop (xrf0);
	s3 =	sadd.s32 s3, s1;
	s1 =	smov.u32 s0;
	s0 =	sadd.s32 $0x40, s0  }
0xdf: {  	[tilespmem:s3+$0x10900] =	vst.msk vm0, v9;
	(v2sf) =	vpush v10, $0xF  }
0xe0: {  	s1 =	sshra.s32 s1, $0x2  }
0xe1: {  	v9 =	vld [tilespmem:s1+$0xC000];
	_ =	sdelay $0x4  }
0xe2: {  	v10 =	vshrl.u32 v9, $0x15;
	v11 =	vshrl.u32 v9, $0xA  }
0xe3: {  	vm0 =	veq.s32 v10, v8;
	v10 =	vand.u32 $0x7FF, v11  }
0xe4: {  	v11 =	vsel vm0, $0x1, v2  }
0xe5: {  	(xrf0) =	vadd.scan.msk.s32 $0xffff, v11  }
.Ltmp3:
0xe6: {  	(pc) =	sbr.rel @p0 .LBB2_9-.Ltmp3, $3  }
0xe7: {  	_ = 	snop  }
0xe8: {  	[tilespmem:v10+s18+$0x0] =	vst.idx.add.s32.msk $0xffff, v11;
	_ =	sdelay $0x1  }
0xe9: {  	s1 =	spop (v2sf)  }
0xea: {  	v8, _, _ =	vpop (xrf0)  }
0xeb: {  	(v2sf) =	vpush v8, $0xF;
	_ =	sdelay $0xe  }
0xec: {  	s0 =	sadd.s32 s3, s1;
	s15 =	spop (v2sf)  }
0xed: {  	[tilespmem:s0+$0x10900] =	vst.msk vm0, v9;
	s0 =	sadd.s32 s0, s15  }
0xee: {  	s16 =	simm.s32 $0xE000;
	[tilespmem:s0+$0x10900] =	vst v7  }
0xef: {  	v11 =	vld [tilespmem:s16+$0x0];
	_ =	sdelay $0x4  }
0xf0: {  	(xrf0) =	vadd.scan.msk.s32 $0xffff, v11;
	_ =	sdelay $0x3  }
0xf1: {  	s17 =	simm.s32 $0xE010;
	[tilespmem:s16+$0x0] =	vst v2  }
0xf2: {  	v15 =	vld [tilespmem:s17+$0x0]  }
0xf3: {  	v9, _, _ =	vpop (xrf0)  }
0xf4: {  	v8 =	vxor.u32 $0x80000000, v9  }
0xf5: {  	(xrf0) =	vmax.scan.msk.u32 $0xffff, v8;
	_ =	sdelay $0x1  }
0xf6: {  	(xrf0) =	vadd.scan.msk.s32 $0xffff, v15;
	_ =	sdelay $0x3  }
0xf7: {  	s19 =	simm.s32 $0xE020;
	[tilespmem:s17+$0x0] =	vst v2;
	v8, _, _ =	vpop (xrf0)  }
0xf8: {  	v14 =	vld [tilespmem:s19+$0x0];
	(v2sf) =	vpush v8, $0xF  }
0xf9: {  	v12, _, _ =	vpop (xrf0)  }
0xfa: {  	v8 =	vxor.u32 $0x80000000, v12  }
0xfb: {  	(xrf0) =	vmax.scan.msk.u32 $0xffff, v8;
	_ =	sdelay $0x1  }
0xfc: {  	s20 =	ssub.s32 $0x1333, s29;
	s30 =	simm.s32 $0x0;
	(xrf0) =	vadd.scan.msk.s32 $0xffff, v14  }
0xfd: {  	v9 =	vadd.s32 s30, v9;
	v8 =	vmov s20  }
0xfe: {  	vm7 =	vge.s32 v9, v8  }
0xff: {  	v13 =	vsel vm7, $0x1, v2  }
0x100: {  	s21 =	simm.s32 $0xE030;
	[tilespmem:s19+$0x0] =	vst v2;
	(xrf0) =	vadd.scan.msk.s32 $0xffff, v13;
	v9, _, _ =	vpop (xrf0)  }
0x101: {  	v10 =	vld [tilespmem:s21+$0x0];
	(v2sf) =	vpush v9, $0xF  }
0x102: {  	v13, _, _ =	vpop (xrf0)  }
0x103: {  	v9 =	vxor.u32 $0x80000000, v13;
	_ =	sdelay $0x1  }
0x104: {  	(xrf0) =	vmax.scan.msk.u32 $0xffff, v9  }
0x105: {  	(xrf0) =	vadd.scan.msk.s32 $0xffff, v10;
	v9, _, _ =	vpop (xrf0);
	s22 =	spop (v2sf)  }
0x106: {  	(v2sf) =	vpush v9, $0xF;
	s1 =	sadd.s32 $0x0, s22  }
0x107: {  	[dreg:$0x12] =	wrdreg s0;
	s0 =	sadd.s32 $0x80000000, s1  }
0x108: {  	s23 =	simm.s32 $0xE040;
	[tilespmem:s21+$0x0] =	vst v2;
	v12 =	vadd.s32 s0, v12  }
0x109: {  	v9 =	vld [tilespmem:s23+$0x0];
	vm8 =	vge.s32 v12, v8  }
0x10a: {  	v16, _, _ =	vpop (xrf0);
	v12 =	vsel vm8, $0x1, v2  }
0x10b: {  	v17, _, _ =	vpop (xrf0);
	(v2sf) =	vpush v16, $0xF;
	(xrf0) =	vadd.scan.msk.s32 $0xffff, v12  }
0x10c: {  	v12 =	vxor.u32 $0x80000000, v17  }
0x10d: {  	(xrf0) =	vmax.scan.msk.u32 $0xffff, v12  }
0x10e: {  	(xrf0) =	vadd.scan.msk.s32 $0xffff, v9  }
0x10f: {  	s2 =	spop (v2sf)  }
0x110: {  	s2 =	sadd.s32 s2, s0  }
0x111: {  	s2 =	sadd.s32 $0x80000000, s2;
	v12, _, _ =	vpop (xrf0)  }
0x112: {  	v13 =	vadd.s32 s2, v13;
	(v2sf) =	vpush v12, $0xF  }
0x113: {  	s24 =	simm.s32 $0xE050;
	[tilespmem:s23+$0x0] =	vst v2;
	v16, _, _ =	vpop (xrf0);
	vm9 =	vge.s32 v13, v8  }
0x114: {  	v12 =	vld [tilespmem:s24+$0x0];
	v13 =	vsel vm9, $0x1, v2;
	v18, _, _ =	vpop (xrf0);
	(v2sf) =	vpush v16, $0xF  }
0x115: {  	s4 =	spop (v2sf);
	(xrf0) =	vadd.scan.msk.s32 $0xffff, v13;
	v13 =	vxor.u32 $0x80000000, v18  }
0x116: {  	s5 =	ssub.s32 $0x10, s4;
	(xrf0) =	vmax.scan.msk.u32 $0xffff, v13  }
0x117: {  	v13 =	vmov s5  }
0x118: {  	vm10 =	vgt.s32 v13, v0  }
0x119: {  	(xrf0) =	vadd.scan.msk.s32 $0xffff, v12;
	v11 =	vnsel vm10, $0x0, v11  }
0x11a: {  	s25 =	spop (v2sf)  }
0x11b: {  	s3 =	sadd.s32 s25, s2;
	v13, _, _ =	vpop (xrf0)  }
0x11c: {  	s26 =	simm.s32 $0xE060;
	[tilespmem:s24+$0x0] =	vst v2;
	s3 =	sadd.s32 $0x80000000, s3;
	(xrf0) =	vadd.scan.msk.s32 $0xffff, v11;
	(v2sf) =	vpush v13, $0xF;
	v11, _, _ =	vpop (xrf0)  }
0x11d: {  	v13 =	vadd.s32 s3, v17;
	(v2sf) =	vpush v11, $0xF;
	v11 =	vld [tilespmem:s26+$0x0]  }
0x11e: {  	vm11 =	vge.s32 v13, v8  }
0x11f: {  	v13 =	vsel vm11, $0x1, v2;
	v16, _, _ =	vpop (xrf0)  }
0x120: {  	(xrf0) =	vadd.scan.msk.s32 $0xffff, v13;
	v13 =	vxor.u32 $0x80000000, v16  }
0x121: {  	(xrf0) =	vmax.scan.msk.u32 $0xffff, v13;
	s10 =	spop (v2sf)  }
0x122: {  	v17, _, _ =	vpop (xrf0);
	(xrf0) =	vadd.scan.msk.s32 $0xffff, v11;
	s7 =	ssub.s32 $0x10, s10  }
0x123: {  	s6 =	spop (v2sf);
	v13 =	vmov s7  }
0x124: {  	(v2sf) =	vpush v17, $0xF;
	s6 =	sadd.s32 s6, s3;
	vm12 =	vgt.s32 v13, v0  }
0x125: {  	s22 =	sadd.s32 $0x80000000, s6;
	v15 =	vnsel vm12, $0x0, v15  }
0x126: {  	v17, _, _ =	vpop (xrf0);
	v18 =	vadd.s32 s22, v18;
	(xrf0) =	vadd.scan.msk.s32 $0xffff, v15  }
0x127: {  	v19, _, _ =	vpop (xrf0);
	vm13 =	vge.s32 v18, v8  }
0x128: {  	v18 =	vsel vm13, $0x1, v2;
	v15, _, _ =	vpop (xrf0)  }
0x129: {  	(xrf0) =	vadd.scan.msk.s32 $0xffff, v18;
	v18 =	vxor.u32 $0x80000000, v15  }
0x12a: {  	s13 =	simm.s32 $0xE070;
	p0 =	por $0x1, $0x1;
	p1 =	slt.s32 s5, $0x10;
	[tilespmem:s26+$0x0] =	vst v2  }
0x12b: {  	s1 =	simm.s32 $0x800;
	p0 =	por !p0, !p1;
	v13 =	vld [tilespmem:s13+$0x0];
	s12 =	spop (v2sf);
	(v2sf) =	vpush v17, $0xF  }
0x12c: {  	s4 =	ssub.s32 $0x10, s4;
	p1 =	por !p0, !p0;
	(xrf0) =	vmax.scan.msk.u32 $0xffff, v18;
	s29 =	spop (v2sf);
	(v2sf) =	vpush v19, $0xF;
	v18, _, _ =	vpop (xrf0)  }
0x12d: {  	s1 =	smov.u32 @p1 s4;
	s15 =	ssub.s32 $0x10, s12;
	s4 =	sadd.s32 s29, s22;
	(v2sf) =	vpush v18, $0xF  }
0x12e: {  	v17 =	vmov s15;
	s14 =	sadd.s32 $0x80000000, s4  }
0x12f: {  	s9 =	simm.s32 $0x40;
	s8 =	simm.s32 $0x50;
	v16 =	vadd.s32 s14, v16  }
0x130: {  	s11 =	simm.s32 $0x90;
	[dreg:$0x10] =	wrdreg s20;
	s16 =	simm.s32 $0xA0;
	(xrf0) =	vadd.scan.msk.s32 $0xffff, v13  }
0x131: {  	s19 =	simm.s32 $0x30;
	p5 =	sgt.s32 s1, $0x7FF;
	p2 =	slt.s32 s7, $0x10;
	vm14 =	vgt.s32 v17, v0;
	v17, _, _ =	vpop (xrf0)  }
0x132: {  	s21 =	simm.s32 $0x70;
	s5 =	simm.s32 $0xE080;
	p0 =	por !p5, !p2;
	vm15 =	vge.s32 v16, v8;
	(v2sf) =	vpush v17, $0xF;
	v16, _, _ =	vpop (xrf0)  }
0x133: {  	p0 =	por !p0, !p0;
	s4 =	ssub.s32 $0x20, s10;
	s31 =	spop (v2sf);
	(v2sf) =	vpush v16, $0xF  }
0x134: {  	p1 =	por p1, p1;
	s7 =	simm.s32 $0x80;
	s1 =	smov.u32 @p0 s4;
	v14 =	vnsel vm14, $0x0, v14  }
0x135: {  	s6 =	simm.s32 $0x60;
	[tilespmem:s13+$0x0] =	vst v2;
	p3 =	slt.s32 s15, $0x10;
	p6 =	sgt.s32 s1, $0x7FF;
	(xrf0) =	vadd.scan.msk.s32 $0xffff, v14;
	v17 =	vsel vm15, $0x1, v2  }
0x136: {  	s10 =	smov.u32 s14;
	v14 =	vld [tilespmem:s5+$0x0];
	[tilespmem:s5+$0x0] =	vst v2;
	p2 =	por !p6, !p3;
	s15 =	sadd.s32 $0x0, s31;
	v16, _, _ =	vpop (xrf0);
	(xrf0) =	vadd.scan.msk.s32 $0xffff, v17  }
.LBB2_11:
0x137: {  	p3 =	sne.s32 s16, $0x800  }
0x138: {  	s30 =	smov.u32 @p1 s15;
	s4 =	smov.u32 s16;
	s16 =	sadd.s32 $0x10, s16  }
0x139: {  	v18 =	vxor.u32 $0x80000000, v16;
	s13 =	smov.u32 s3;
	s3 =	smov.u32 s22;
	p1 =	por p0, p0  }
0x13a: {  	p0 =	por !p2, !p2;
	s15 =	ssub.s32 s19, s12;
	(xrf0) =	vmax.scan.msk.u32 $0xffff, v18;
	s12 =	spop (v2sf)  }
0x13b: {  	s19 =	smov.u32 s9;
	s1 =	smov.u32 @p0 s15;
	s20 =	ssub.s32 $0x10, s12;
	v17, _, _ =	vpop (xrf0)  }
0x13c: {  	p2 =	sgt.s32 s1, $0x7FF;
	(xrf0) =	vadd.scan.msk.s32 $0xffff, v14;
	s9 =	spop (v2sf);
	p4 =	slt.s32 s20, $0x10;
	v18 =	vmov s20;
	(v2sf) =	vpush v17, $0xF  }
0x13d: {  	s14 =	sadd.s32 s9, s14;
	p2 =	por !p2, !p4;
	vm0 =	vgt.s32 v18, v0;
	s9 =	smov.u32 s8  }
.Ltmp4:
0x13e: {  	s8 =	smov.u32 s6;
	s14 =	sadd.s32 $0x80000000, s14;
	v17, _, _ =	vpop (xrf0);
	v18 =	vnsel vm0, $0x0, v10;
	v10 =	vmov v9;
	v9 =	vmov v12;
	(pc) =	sbr.rel @p3 .LBB2_11-.Ltmp4, $4  }
0x13f: {  	s6 =	smov.u32 s21;
	s21 =	smov.u32 s7;
	s7 =	smov.u32 s11;
	v12 =	vmovc v11;
	v11 =	vmov v13;
	v19 =	vadd.s32 s14, v15;
	(v2sf) =	vpush v17, $0xF;
	(xrf0) =	vadd.scan.msk.s32 $0xffff, v18  }
0x140: {  	s5 =	sadd.s32 $0x10, s5;
	s22 =	smov.u32 s10;
	s11 =	smov.u32 s4;
	v13 =	vmov v14;
	v15 =	vmov v16;
	v17, _, _ =	vpop (xrf0);
	vm0 =	vge.s32 v19, v8  }
0x141: {  	s10 =	smov.u32 s14;
	v14 =	vld [tilespmem:s5+$0x0];
	(v2sf) =	vpush v17, $0xF;
	v17 =	vsel vm0, $0x1, v2;
	s4 =	spop (v2sf)  }
0x142: {  	[tilespmem:s5+$0x0] =	vst v2;
	v16, _, _ =	vpop (xrf0);
	(xrf0) =	vadd.scan.msk.s32 $0xffff, v17;
	s15 =	sadd.s32 s0, s4;
	s0 =	smov.u32 s2;
	s2 =	smov.u32 s13  }
0x143: {  	v17 =	vxor.u32 $0x80000000, v16  }
0x144: {  	(xrf0) =	vmax.scan.msk.u32 $0xffff, v17;
	_ =	sdelay $0x3  }
0x145: {  	v49, _, _ =	vpop (xrf0)  }
0x146: {  	(v2sf) =	vpush v49, $0xF;
	v50, _, _ =	vpop (xrf0)  }
0x147: {  	(v2sf) =	vpush v50, $0xF;
	v51, _, _ =	vpop (xrf0)  }
0x148: {  	(v2sf) =	vpush v51, $0xF;
	_ =	sdelay $0x4  }
0x149: {  	s24 =	spop (v2sf)  }
0x14a: {  	s4 =	spop (v2sf);
	(xrf0) =	vadd.scan.msk.s32 $0xffff, v14  }
0x14b: {  	s23 =	ssub.s32 $0x10, s24;
	s4 =	sadd.s32 s4, s14  }
0x14c: {  	v52 =	vmov s23;
	s4 =	sadd.s32 $0x80000000, s4;
	s5 =	spop (v2sf)  }
0x14d: {  	vm0 =	vgt.s32 v52, v0;
	v15 =	vadd.s32 s4, v15;
	s16 =	spop (v2sf)  }
0x14e: {  	v10 =	vnsel vm0, $0x0, v10;
	vm8 =	vge.s32 v15, v8;
	s13 =	spop (v2sf)  }
0x14f: {  	(xrf0) =	vadd.scan.msk.s32 $0xffff, v10;
	v53 =	vsel vm8, $0x1, v2;
	s26 =	ssub.s32 $0x10, s16;
	s13 =	sadd.s32 s13, s4  }
0x150: {  	(xrf0) =	vadd.scan.msk.s32 $0xffff, v53;
	v54, _, _ =	vpop (xrf0);
	v55 =	vmov s26;
	s20 =	sadd.s32 $0x80000000, s13  }
0x151: {  	[dreg:$0x17] =	wrdreg s5;
	v56 =	vxor.u32 $0x80000000, v54;
	vm9 =	vgt.s32 v55, v0;
	v57 =	vadd.s32 s20, v16;
	s5 =	spop (v2sf)  }
0x152: {  	(xrf0) =	vmax.scan.msk.u32 $0xffff, v56;
	v9 =	vnsel vm9, $0x0, v9;
	vm10 =	vge.s32 v57, v8;
	s25 =	spop (v2sf)  }
0x153: {  	(xrf0) =	vadd.scan.msk.s32 $0xffff, v9;
	v58 =	vsel vm10, $0x1, v2;
	s13 =	spop (v2sf)  }
0x154: {  	(xrf0) =	vadd.scan.msk.s32 $0xffff, v58;
	s31 =	ssub.s32 $0x10, s25;
	s14 =	sadd.s32 s13, s20  }
0x155: {  	v59, _, _ =	vpop (xrf0);
	v60 =	vmov s31;
	s17 =	sadd.s32 $0x80000000, s14  }
0x156: {  	(v2sf) =	vpush v59, $0xF;
	v61, _, _ =	vpop (xrf0);
	vm11 =	vgt.s32 v60, v0;
	v62 =	vadd.s32 s17, v54  }
0x157: {  	(v2sf) =	vpush v61, $0xF;
	v10 =	vnsel vm11, $0x0, v12;
	vm12 =	vge.s32 v62, v8  }
0x158: {  	(xrf0) =	vadd.scan.msk.s32 $0xffff, v10;
	v8, _, _ =	vpop (xrf0);
	v9 =	vsel vm12, $0x1, v2  }
0x159: {  	(v2sf) =	vpush v8, $0xF;
	v8, _, _ =	vpop (xrf0);
	(xrf0) =	vadd.scan.msk.s32 $0xffff, v9  }
0x15a: {  	(v2sf) =	vpush v8, $0xF;
	v8, _, _ =	vpop (xrf0)  }
0x15b: {  	(v2sf) =	vpush v8, $0xF;
	_ =	sdelay $0x2  }
0x15c: {  	v8, _, _ =	vpop (xrf0)  }
0x15d: {  	(v2sf) =	vpush v8, $0xF;
	v8, _, _ =	vpop (xrf0)  }
0x15e: {  	(v2sf) =	vpush v8, $0xF;
	_ =	sdelay $0x4  }
0x15f: {  	s13 =	spop (v2sf)  }
0x160: {  	[dreg:$0x15] =	wrdreg s17;
	s17 =	spop (v2sf)  }
0x161: {  	[dreg:$0x14] =	wrdreg s4;
	s4 =	ssub.s32 $0x10, s17  }
0x162: {  	v8 =	vmov s4;
	s29 =	spop (v2sf)  }
0x163: {  	vm13 =	vgt.s32 v8, v0;
	s14 =	spop (v2sf)  }
0x164: {  	s12 =	ssub.s32 s19, s12;
	p2 =	por !p2, !p2;
	v8 =	vnsel vm13, $0x0, v11;
	s29 =	spop (v2sf)  }
0x165: {  	s1 =	smov.u32 @p2 s12;
	[dreg:$0x19] =	wrdreg s5;
	(xrf0) =	vadd.scan.msk.s32 $0xffff, v8;
	s5 =	ssub.s32 $0x10, s29  }
0x166: {  	p3 =	slt.s32 s23, $0x10;
	p4 =	sgt.s32 s1, $0x7FF;
	v8 =	vmov s5  }
0x167: {  	p3 =	por !p4, !p3;
	vm14 =	vgt.s32 v8, v0  }
0x168: {  	s9 =	ssub.s32 s9, s24;
	p3 =	por !p3, !p3;
	s23 =	spop (v2sf);
	v8 =	vnsel vm14, $0x0, v13  }
0x169: {  	s1 =	smov.u32 @p3 s9;
	s12 =	spop (v2sf)  }
0x16a: {  	p5 =	sgt.s32 s1, $0x7FF;
	p6 =	slt.s32 s26, $0x10;
	(xrf0) =	vadd.scan.msk.s32 $0xffff, v8;
	s24 =	ssub.s32 $0x10, s12  }
0x16b: {  	s30 =	smov.u32 @p1 s15;
	p4 =	por !p5, !p6;
	v8, _, _ =	vpop (xrf0);
	v63 =	vmov s24  }
0x16c: {  	s19 =	rddreg [dreg:$0x12];
	s8 =	ssub.s32 s8, s16;
	p4 =	por !p4, !p4;
	(v2sf) =	vpush v8, $0xF;
	vm15 =	vgt.s32 v63, v0  }
0x16d: {  	p0 =	por p0, p0;
	s9 =	rddreg [dreg:$0x17];
	s1 =	smov.u32 @p4 s8;
	v8 =	vnsel vm15, $0x0, v14  }
0x16e: {  	s0 =	sadd.s32 s0, s9;
	p6 =	sgt.s32 s1, $0x7FF;
	p5 =	slt.s32 s31, $0x10  }
0x16f: {  	s30 =	smov.u32 @p0 s0;
	s15 =	rddreg [dreg:$0x19];
	p1 =	por !p6, !p5;
	(xrf0) =	vadd.scan.msk.s32 $0xffff, v8  }
0x170: {  	s2 =	sadd.s32 s2, s15;
	s0 =	ssub.s32 s6, s25;
	p0 =	por !p1, !p1;
	v8, _, _ =	vpop (xrf0)  }
0x171: {  	p1 =	por p2, p2;
	p2 =	por p3, p3;
	s1 =	smov.u32 @p0 s0;
	(v2sf) =	vpush v8, $0xF  }
0x172: {  	s30 =	smov.u32 @p1 s2;
	p6 =	sgt.s32 s1, $0x7FF;
	p5 =	slt.s32 s4, $0x10  }
0x173: {  	p0 =	por p0, p0;
	s0 =	sadd.s32 s3, s13;
	p1 =	por !p6, !p5  }
0x174: {  	s30 =	smov.u32 @p2 s0;
	s0 =	ssub.s32 s21, s17;
	p1 =	por !p1, !p1  }
0x175: {  	p2 =	por p4, p4;
	s17 =	rddreg [dreg:$0x14];
	s1 =	smov.u32 @p1 s0;
	v8, _, _ =	vpop (xrf0)  }
0x176: {  	p1 =	por p1, p1;
	p5 =	sgt.s32 s1, $0x7FF;
	s2 =	sadd.s32 s22, s14;
	(v2sf) =	vpush v8, $0xF  }
0x177: {  	s30 =	smov.u32 @p2 s2;
	s2 =	sadd.s32 $0xF, s19;
	p6 =	slt.s32 s5, $0x10  }
0x178: {  	s22 =	sand.u32 $0xF, s2;
	p2 =	por !p5, !p6;
	s0 =	sadd.s32 s10, s23  }
0x179: {  	s30 =	smov.u32 @p0 s0;
	p0 =	por !p2, !p2;
	s0 =	ssub.s32 s7, s29  }
0x17a: {  	p5 =	slt.s32 s2, $0x1;
	p6 =	sne.s32 s22, $0x0;
	s1 =	smov.u32 @p0 s0  }
0x17b: {  	s23 =	sshra.s32 s2, $0x1F;
	p3 =	sgt.s32 s1, $0x7FF;
	s16 =	spop (v2sf)  }
0x17c: {  	p4 =	slt.s32 s24, $0x10;
	s24 =	sshrl.u32 s23, $0x1C;
	s0 =	sadd.s32 s17, s16  }
0x17d: {  	p2 =	por !p3, !p4;
	s2 =	sadd.s32 s24, s2;
	s30 =	smov.u32 @p1 s0  }
0x17e: {  	p1 =	por p0, p0;
	p0 =	por !p2, !p2;
	p2 =	por !p5, !p6  }
0x17f: {  	s3 =	simm.s32 $0x1;
	s25 =	sshra.s32 s2, $0x4;
	p2 =	por !p2, !p2  }
0x180: {  	s0 =	ssub.s32 s11, s12;
	s3 =	simm.s32 @!p2 $0x0;
	s21 =	spop (v2sf)  }
0x181: {  	s1 =	smov.u32 @p0 s0;
	s2 =	ssub.s32 s25, s3;
	s0 =	sadd.s32 s20, s21  }
0x182: {  	s30 =	smov.u32 @p1 s0;
	p1 =	slt.s32 s2, $0x1  }
.Ltmp5:
0x183: {  	_ = 	snop;
	(pc) =	sbr.rel @p1 .LBB2_16-.Ltmp5, $4  }
0x184: {  	_ = 	snop  }
0x185: {  	s29 =	rddreg [dreg:$0x15];
	s26 =	spop (v2sf)  }
0x186: {  	s31 =	sshll.u32 s28, $0xB;
	p0 =	por p0, p0;
	s0 =	sadd.s32 s29, s26  }
0x187: {  	s14 =	rddreg [dreg:$0xc];
	s30 =	smov.u32 @p0 s0;
	s0 =	sadd.s32 s31, s1  }
0x188: {  	p0 =	seq.s32 s2, $0x1  }
.Ltmp6:
0x189: {  	_ = 	snop;
	(pc) =	sbr.rel @p0 .LBB2_15-.Ltmp6, $3  }
0x18a: {  	_ =	sdelay $0x1  }
0x18b: {  	s1 =	simm.s32 $0x10900  }
0x18c: {  	v8 =	vmov s0;
	s2 =	sadd.s32 $0xFFFFFFFF, s2;
	v9 =	vld [tilespmem:s1+$0x0]  }
.LBB2_14:
0x18d: {  	p0 =	seq.s32 s2, $0x1;
	_ =	sdelay $0x3  }
0x18e: {  	v10 =	vand.u32 $0x3FF, v9;
	_ =	sdelay $0x1  }
.Ltmp7:
0x18f: {  	v9 =	vshrl.u32 v9, $0xA;
	(pc) =	sbr.rel @!p0 .LBB2_14-.Ltmp7, $4  }
0x190: {  	vm0 =	veq.s32 v9, v8  }
0x191: {  	v9 =	vsel vm0, $0x1, v2  }
0x192: {  	s1 =	sadd.s32 $0x10, s1;
	[tilespmem:v10+s18+$0x0] =	vst.idx.add.s32.msk $0xffff, v9  }
0x193: {  	s2 =	sadd.s32 $0xFFFFFFFF, s2;
	v9 =	vld [tilespmem:s1+$0x0]  }
.LBB2_15:
0x194: {  	_ =	sdelay $0x3  }
0x195: {  	v10 =	vand.u32 $0x3FF, v9;
	_ =	sdelay $0x1  }
0x196: {  	v63 =	vshrl.u32 v9, $0xA  }
0x197: {  	vm0 =	veq.s32 v63, v8  }
0x198: {  	v8 =	vsel vm0, $0x1, v2  }
0x199: {  	[tilespmem:v10+s18+$0x0] =	vst.idx.add.s32.msk $0xffff, v8  }
.LBB2_16:
0x19a: {  	s5 =	simm.s32 $0xE000  }
0x19b: {  	v9 =	vld [tilespmem:s5+$0x0];
	_ =	sdelay $0x4  }
0x19c: {  	(xrf0) =	vadd.scan.msk.s32 $0xffff, v9;
	_ =	sdelay $0x2  }
0x19d: {  	s28 =	simm.s32 $0xE010;
	[tilespmem:s5+$0x0] =	vst v2  }
0x19e: {  	v9 =	vld [tilespmem:s28+$0x0];
	_ =	sdelay $0x1  }
0x19f: {  	v10, _, _ =	vpop (xrf0)  }
0x1a0: {  	v11 =	vxor.u32 $0x80000000, v10  }
0x1a1: {  	(xrf0) =	vmax.scan.msk.u32 $0xffff, v11  }
0x1a2: {  	(xrf0) =	vadd.scan.msk.s32 $0xffff, v9;
	_ =	sdelay $0x4  }
0x1a3: {  	s1 =	rddreg [dreg:$0x3];
	v9, _, _ =	vpop (xrf0)  }
0x1a4: {  	s3 =	rddreg [dreg:$0xf];
	v11, _, _ =	vpop (xrf0)  }
0x1a5: {  	s26 =	rddreg [dreg:$0x10];
	s29 =	simm.s32 $0xE020;
	[tilespmem:s28+$0x0] =	vst v2;
	v13 =	vxor.u32 $0x80000000, v11  }
0x1a6: {  	s4 =	simm.s32 $0x0;
	s1 =	sor.u32 s1, s3;
	s3 =	ssub.s32 s26, s30;
	v12 =	vld [tilespmem:s29+$0x0];
	(xrf0) =	vmax.scan.msk.u32 $0xffff, v13  }
0x1a7: {  	v8 =	vmov s3;
	(v2sf) =	vpush v9, $0xF;
	v9 =	vadd.s32 s4, v10  }
0x1a8: {  	vm0 =	vge.s32 v9, v8  }
0x1a9: {  	v9 =	vsel vm0, $0x1, v2;
	_ =	sdelay $0x1  }
0x1aa: {  	(xrf0) =	vadd.scan.msk.s32 $0xffff, v12  }
0x1ab: {  	(xrf0) =	vadd.scan.msk.s32 $0xffff, v9;
	v9, _, _ =	vpop (xrf0)  }
0x1ac: {  	(v2sf) =	vpush v9, $0xF;
	_ =	sdelay $0x5  }
0x1ad: {  	v10, _, _ =	vpop (xrf0)  }
0x1ae: {  	v9, _, _ =	vpop (xrf0)  }
0x1af: {  	s30 =	simm.s32 $0xE030;
	[tilespmem:s29+$0x0] =	vst v2;
	(v2sf) =	vpush v9, $0xF  }
0x1b0: {  	v61 =	vxor.u32 $0x80000000, v10;
	v9 =	vld [tilespmem:s30+$0x0];
	s31 =	spop (v2sf)  }
0x1b1: {  	(xrf0) =	vmax.scan.msk.u32 $0xffff, v61;
	s5 =	sadd.s32 $0x0, s31  }
0x1b2: {  	s5 =	sadd.s32 $0x80000000, s5  }
0x1b3: {  	v11 =	vadd.s32 s5, v11  }
0x1b4: {  	vm14 =	vge.s32 v11, v8  }
0x1b5: {  	(xrf0) =	vadd.scan.msk.s32 $0xffff, v9;
	v9 =	vsel vm14, $0x1, v2  }
0x1b6: {  	(xrf0) =	vadd.scan.msk.s32 $0xffff, v9;
	s6 =	spop (v2sf)  }
0x1b7: {  	v12, _, _ =	vpop (xrf0);
	s5 =	sadd.s32 s6, s5  }
0x1b8: {  	(v2sf) =	vpush v12, $0xF;
	s5 =	sadd.s32 $0x80000000, s5  }
0x1b9: {  	s4 =	simm.s32 $0xE040;
	[tilespmem:s30+$0x0] =	vst v2;
	v10 =	vadd.s32 s5, v10  }
0x1ba: {  	v11 =	vld [tilespmem:s4+$0x0]  }
0x1bb: {  	v9, _, _ =	vpop (xrf0)  }
0x1bc: {  	v62 =	vxor.u32 $0x80000000, v9;
	vm15 =	vge.s32 v10, v8;
	v10, _, _ =	vpop (xrf0)  }
0x1bd: {  	s2 =	sshll.u32 s14, $0x5;
	s9 =	simm.s32 $0x20;
	s8 =	simm.s32 $0x30;
	(xrf0) =	vmax.scan.msk.u32 $0xffff, v62;
	(v2sf) =	vpush v10, $0xF  }
0x1be: {  	s7 =	simm.s32 $0x40;
	s10 =	simm.s32 $0x60;
	s11 =	spop (v2sf)  }
0x1bf: {  	p0 =	por $0x1, $0x1;
	s3 =	simm.s32 $0x400;
	s12 =	ssub.s32 $0x10, s11;
	v63 =	vsel vm15, $0x1, v2;
	(xrf0) =	vadd.scan.msk.s32 $0xffff, v11  }
0x1c0: {  	[tilespmem:s4+$0x0] =	vst v2;
	s6 =	simm.s32 $0x50;
	s11 =	ssub.s32 $0x10, s11;
	p2 =	slt.s32 s12, $0x10;
	(xrf0) =	vadd.scan.msk.s32 $0xffff, v63  }
.LBB2_17:
0x1c1: {  	p1 =	sne.s32 s10, $0x400  }
0x1c2: {  	s12 =	smov.u32 s3;
	s13 =	smov.u32 s7;
	s7 =	smov.u32 s6  }
0x1c3: {  	v10, _, _ =	vpop (xrf0);
	s6 =	smov.u32 s10;
	s10 =	sadd.s32 $0x10, s10;
	s12 =	smov.u32 @p2 s11  }
0x1c4: {  	(v2sf) =	vpush v10, $0xF;
	s3 =	smov.u32 @p0 s12;
	_ =	sdelay $0x2  }
0x1c5: {  	s4 =	sadd.s32 $0x10, s4;
	v10, _, _ =	vpop (xrf0);
	s11 =	spop (v2sf)  }
0x1c6: {  	v11 =	vld [tilespmem:s4+$0x0];
	v12 =	vxor.u32 $0x80000000, v10;
	s5 =	sadd.s32 s11, s5;
	v13, _, _ =	vpop (xrf0)  }
0x1c7: {  	[tilespmem:s4+$0x0] =	vst v2;
	(xrf0) =	vmax.scan.msk.u32 $0xffff, v12;
	s5 =	sadd.s32 $0x80000000, s5;
	(v2sf) =	vpush v13, $0xF  }
.Ltmp8:
0x1c8: {  	v12 =	vadd.s32 s5, v9;
	v9 =	vmov v10;
	(pc) =	sbr.rel @p1 .LBB2_17-.Ltmp8, $4  }
0x1c9: {  	vm0 =	vge.s32 v12, v8  }
0x1ca: {  	v10 =	vsel vm0, $0x1, v2;
	s11 =	spop (v2sf)  }
0x1cb: {  	(xrf0) =	vadd.scan.msk.s32 $0xffff, v11;
	s12 =	ssub.s32 $0x10, s11;
	s11 =	ssub.s32 s9, s11;
	s9 =	smov.u32 s8  }
0x1cc: {  	p0 =	sgt.s32 s3, $0x3FF;
	s8 =	smov.u32 s13;
	(xrf0) =	vadd.scan.msk.s32 $0xffff, v10;
	p2 =	slt.s32 s12, $0x10  }
0x1cd: {  	v10, _, _ =	vpop (xrf0)  }
0x1ce: {  	(v2sf) =	vpush v10, $0xF;
	_ =	sdelay $0xb  }
0x1cf: {  	s4 =	spop (v2sf)  }
0x1d0: {  	s4 =	sadd.s32 s4, s5  }
0x1d1: {  	s4 =	sadd.s32 $0x80000000, s4;
	s22 =	spop (v2sf)  }
0x1d2: {  	v10, _, _ =	vpop (xrf0);
	v9 =	vadd.s32 s4, v9;
	s10 =	spop (v2sf)  }
0x1d3: {  	v11 =	vxor.u32 $0x80000000, v10;
	vm0 =	vge.s32 v9, v8;
	s4 =	sadd.s32 s10, s4  }
0x1d4: {  	(xrf0) =	vmax.scan.msk.u32 $0xffff, v11;
	v9 =	vsel vm0, $0x1, v2;
	s4 =	sadd.s32 $0x80000000, s4  }
0x1d5: {  	(xrf0) =	vadd.scan.msk.s32 $0xffff, v9;
	v9 =	vadd.s32 s4, v10  }
0x1d6: {  	vm15 =	vge.s32 v9, v8  }
0x1d7: {  	v8 =	vsel vm15, $0x1, v2  }
0x1d8: {  	v9, _, _ =	vpop (xrf0);
	(xrf0) =	vadd.scan.msk.s32 $0xffff, v8  }
0x1d9: {  	(v2sf) =	vpush v9, $0xF  }
0x1da: {  	v8, _, _ =	vpop (xrf0)  }
0x1db: {  	(v2sf) =	vpush v8, $0xF;
	v8, _, _ =	vpop (xrf0)  }
0x1dc: {  	(v2sf) =	vpush v8, $0xF;
	_ =	sdelay $0x1  }
0x1dd: {  	v8, _, _ =	vpop (xrf0)  }
0x1de: {  	(v2sf) =	vpush v8, $0xF;
	_ =	sdelay $0x3  }
0x1df: {  	s4 =	smov.u32 s3  }
0x1e0: {  	s4 =	smov.u32 @p2 s11  }
0x1e1: {  	s23 =	ssub.s32 $0x10, s22;
	s3 =	smov.u32 @p0 s4  }
0x1e2: {  	s5 =	ssub.s32 s9, s22;
	p0 =	slt.s32 s23, $0x10;
	s4 =	smov.u32 s3  }
0x1e3: {  	p1 =	sgt.s32 s3, $0x3FF;
	s4 =	smov.u32 @p0 s5  }
0x1e4: {  	s3 =	smov.u32 @p1 s4;
	s24 =	spop (v2sf)  }
0x1e5: {  	s4 =	smov.u32 s3;
	s25 =	ssub.s32 $0x10, s24  }
0x1e6: {  	s5 =	ssub.s32 s8, s24;
	p0 =	slt.s32 s25, $0x10;
	s26 =	spop (v2sf)  }
0x1e7: {  	p1 =	sgt.s32 s3, $0x3FF;
	s4 =	smov.u32 @p0 s5;
	s28 =	spop (v2sf)  }
0x1e8: {  	s3 =	smov.u32 @p1 s4;
	s29 =	ssub.s32 $0x10, s28  }
0x1e9: {  	s5 =	ssub.s32 s7, s28;
	p0 =	slt.s32 s29, $0x10;
	s4 =	smov.u32 s3  }
0x1ea: {  	p1 =	sgt.s32 s3, $0x3FF;
	s4 =	smov.u32 @p0 s5;
	s30 =	spop (v2sf)  }
0x1eb: {  	s3 =	smov.u32 @p1 s4;
	s31 =	ssub.s32 $0x10, s30  }
0x1ec: {  	s5 =	ssub.s32 s6, s30;
	p0 =	slt.s32 s31, $0x10;
	s4 =	smov.u32 s3  }
0x1ed: {  	p1 =	sgt.s32 s3, $0x3FF;
	s4 =	smov.u32 @p0 s5  }
0x1ee: {  	s0 =	sshll.u32 s0, $0xA;
	s3 =	smov.u32 @p1 s4  }
0x1ef: {  	s3 =	sadd.s32 s0, s3;
	s0 =	simm.s32 $0x0  }
0x1f0: {  	v9 =	vld [tilespmem:s0+$0xC000]  }
0x1f1: {  	v8 =	vmov s3;
	s3 =	simm.s32 $0x40  }
.LBB2_19:
0x1f2: {  	p0 =	sne.s32 s3, $0x7FC0  }
.Ltmp9:
0x1f3: {  	_ = 	snop;
	(pc) =	sbr.rel @p0 .LBB2_19-.Ltmp9, $4  }
0x1f4: {  	_ = 	snop  }
0x1f5: {  	s4 =	sshra.s32 s3, $0x2;
	s3 =	sadd.s32 $0x40, s3;
	vm0 =	vle.s32 v9, v8  }
0x1f6: {  	v9 =	vld [tilespmem:s4+$0xC000];
	v10 =	vsel vm0, $0x3F800000, v2  }
0x1f7: {  	[tilespmem:s0+$0xE900] =	vst v10;
	s0 =	smov.u32 s4  }
0x1f8: {  	_ =	sdelay $0x2  }
0x1f9: {  	vm0 =	vle.s32 v9, v8  }
0x1fa: {  	s25 =	rddreg [dreg:$0x8];
	s26 =	simm.s32 $0x80;
	v8 =	vsel vm0, $0x3F800000, v2  }
0x1fb: {  	s3 =	simm.s32 $0x400;
	s4 =	simm.s32 $0xE900;
	[tilespmem:s0+$0xE900] =	vst v8;
	s0 =	sadd.s32 s2, s25  }
0x1fc: {  	[hbm4b:s0+s26] =	stream.strided.scatter [tilespmem:s4], [sflag:$0x3], $0x2000, s3, s26, $0x38;
	[tilespmem:$0x12980] =	vst v63  }
0x1fd: {  	p0 =	seq.s32 s14, $0x3;
	s0 =	rddreg [dreg:$0xe]  }
0x1fe: {  	s28 =	simm.s32 $0x3;
	s2 =	rddreg [dreg:$0x3];
	s0 =	sadd.s32 @!p0 $0x2, s0  }
0x1ff: {  	_ =	swait.ge [sflag:s28], $0x2000;
	s2 =	sadd.s32 @!p0 s2, s0  }
0x200: {  	s29 =	simm.s32 $0x2;
	[sflag:s28] =	ssyncset.done $0x0;
	s2 =	sshrl.u32 @!p0 s2, $0x3  }
0x201: {  	s0 =	sshll.u32 @!p0 s0, $0x7;
	[sflag:s28] =	ssyncadd.s32 $0xFFFFE000;
	s2 =	smul.u32 @!p0 $0x30000, s2  }
0x202: {  	s30 =	simm.s32 $0xE800;
	v8 =	vmov s1;
	s0 =	sand.u32 @!p0 $0x300, s0;
	_ =	swait.ge [sflag:s29], $0x6000  }
0x203: {  	s3 =	simm.s32 @!p0 $0x0;
	[sflag:s29] =	ssyncset.done $0x0;
	s0 =	sor.u32 @!p0 s0, s2  }
0x204: {  	s1 =	rddreg [dreg:$0x4];
	[sflag:s29] =	ssyncadd.s32 $0xFFFFA000;
	s0 =	sshrl.u32 @!p0 s0, $0x3  }
0x205: {  	s2 =	simm.s32 @!p0 $0x400;
	s0 =	sadd.s32 @!p0 s1, s0;
	s1 =	simm.s32 @!p0 $0x80  }
0x206: {  	[tilespmem:s3], [sflag:$0x1] =	stream.strided.gather @!p0 [hbm4b:s0+s1], $0x6000, s2, s1, $0x38;
	[tilespmem:$0x12980] =	vst v63  }
0x207: {  	v8 =	vld.idx.msk [tilespmem:v8+s30+$0x0], $0xffff;
	_ =	sdelay $0x4  }
0x208: {  	(v2sf) =	vpush v8, $0x0;
	_ =	sdelay $0xe  }
0x209: {  	s31 =	spop (v2sf)  }
0x20a: {  	s0 =	smul.u32 $0x3, s31;
	_ =	sdelay $0x1  }
0x20b: {  	v8 =	vadd.s32 s0, v3;
	_ =	sdelay $0x3  }
0x20c: {  	s3 =	simm.s32 $0x6000  }
0x20d: {  	v10 =	vld.idx.msk [tilespmem:v8+s3+$0x0], $0xffff;
	_ =	sdelay $0x4  }
0x20e: {  	v8 =	vbroadcast v10, $0x0  }
0x20f: {  	s26 =	simm.s32 $0x0;
	s1 =	simm.s32 $0x0;
	s0 =	simm.s32 $0xC000;
	v9 =	vbroadcast v10, $0x1;
	v10 =	vbroadcast v10, $0x2  }
.LBB2_21:
0x210: {  	v11 =	vadd.s32 s1, v1  }
0x211: {  	v12 =	vadd.s32 s1, v4;
	_ =	sdelay $0x1  }
0x212: {  	v13 =	vadd.s32 s1, v5;
	_ =	sdelay $0x1  }
0x213: {  	v11 =	vld.idx.msk [tilespmem:v11+s3+$0x0], $0xffff  }
0x214: {  	v12 =	vld.idx.msk [tilespmem:v12+s3+$0x0], $0xffff;
	_ =	sdelay $0x1  }
0x215: {  	v13 =	vld.idx.msk [tilespmem:v13+s3+$0x0], $0xffff;
	_ =	sdelay $0x2  }
0x216: {  	v11 =	vsub.f32 v11, v8;
	v12 =	vsub.f32 v12, v9;
	_ =	sdelay $0x1  }
0x217: {  	v13 =	vsub.f32 v13, v10;
	v11 =	vmul.f32 v11, v11;
	v12 =	vmul.f32 v12, v12;
	_ =	sdelay $0x1  }
0x218: {  	v63 =	vmul.f32 v13, v13;
	v11 =	vadd.f32 v12, v11;
	_ =	sdelay $0x1  }
0x219: {  	v11 =	vadd.f32 v63, v11;
	_ =	sdelay $0x1  }
0x21a: {  	p0 =	sne.s32 s1, $0x5FD0;
	v12 =	vshrl.u32 v11, $0x15  }
.Ltmp10:
0x21b: {  	_ = 	snop;
	(pc) =	sbr.rel @p0 .LBB2_21-.Ltmp10, $3  }
0x21c: {  	_ =	sdelay $0x1  }
0x21d: {  	s2 =	simm.s32 $0xE000;
	[tilespmem:s0+$0x0] =	vst v11  }
0x21e: {  	s1 =	sadd.s32 $0x30, s1;
	s0 =	sadd.s32 $0x10, s0;
	[tilespmem:v12+s2+$0x0] =	vst.idx.add.s32.msk $0xffff, v6  }
0x21f: {  	v8 =	vld [tilespmem:s2+$0x0];
	_ =	sdelay $0x4  }
0x220: {  	(xrf0) =	vadd.scan.msk.s32 $0xffff, v8;
	_ =	sdelay $0x3  }
0x221: {  	[tilespmem:s2+$0x0] =	vst v2;
	s0 =	simm.s32 $0xE010  }
0x222: {  	v14 =	vld [tilespmem:s0+$0x0]  }
0x223: {  	v9, _, _ =	vpop (xrf0)  }
0x224: {  	v10 =	vxor.u32 $0x80000000, v9  }
0x225: {  	(xrf0) =	vmax.scan.msk.u32 $0xffff, v10;
	_ =	sdelay $0x1  }
0x226: {  	(xrf0) =	vadd.scan.msk.s32 $0xffff, v14;
	_ =	sdelay $0x3  }
0x227: {  	s15 =	simm.s32 $0xE020;
	[tilespmem:s0+$0x0] =	vst v2;
	v10, _, _ =	vpop (xrf0)  }
0x228: {  	v13 =	vld [tilespmem:s15+$0x0];
	(v2sf) =	vpush v10, $0xF  }
0x229: {  	v10, _, _ =	vpop (xrf0)  }
0x22a: {  	v11 =	vxor.u32 $0x80000000, v10  }
0x22b: {  	(xrf0) =	vmax.scan.msk.u32 $0xffff, v11;
	_ =	sdelay $0x1  }
0x22c: {  	(xrf0) =	vadd.scan.msk.s32 $0xffff, v13  }
0x22d: {  	v9 =	vadd.s32 s26, v9  }
0x22e: {  	vm0 =	vgt.s32 v9, $0x1332  }
0x22f: {  	v12 =	vsel vm0, $0x1, v2  }
0x230: {  	s16 =	simm.s32 $0xE030;
	[tilespmem:s15+$0x0] =	vst v2;
	(xrf0) =	vadd.scan.msk.s32 $0xffff, v12;
	v9, _, _ =	vpop (xrf0)  }
0x231: {  	v11 =	vld [tilespmem:s16+$0x0];
	(v2sf) =	vpush v9, $0xF  }
0x232: {  	v9, _, _ =	vpop (xrf0)  }
0x233: {  	v12 =	vxor.u32 $0x80000000, v9;
	_ =	sdelay $0x1  }
0x234: {  	(xrf0) =	vmax.scan.msk.u32 $0xffff, v12  }
0x235: {  	(xrf0) =	vadd.scan.msk.s32 $0xffff, v11;
	v12, _, _ =	vpop (xrf0);
	s1 =	spop (v2sf)  }
0x236: {  	(v2sf) =	vpush v12, $0xF;
	s1 =	sadd.s32 $0x0, s1  }
0x237: {  	s28 =	sadd.s32 $0x80000000, s1  }
0x238: {  	s17 =	simm.s32 $0xE040;
	[tilespmem:s16+$0x0] =	vst v2;
	v12 =	vadd.s32 s28, v10  }
0x239: {  	v10 =	vld [tilespmem:s17+$0x0];
	vm8 =	vgt.s32 v12, $0x1332  }
0x23a: {  	v15, _, _ =	vpop (xrf0);
	v12 =	vsel vm8, $0x1, v2  }
0x23b: {  	v16, _, _ =	vpop (xrf0);
	(v2sf) =	vpush v15, $0xF;
	(xrf0) =	vadd.scan.msk.s32 $0xffff, v12  }
0x23c: {  	v12 =	vxor.u32 $0x80000000, v16  }
0x23d: {  	(xrf0) =	vmax.scan.msk.u32 $0xffff, v12  }
0x23e: {  	(xrf0) =	vadd.scan.msk.s32 $0xffff, v10  }
0x23f: {  	s19 =	spop (v2sf)  }
0x240: {  	s1 =	sadd.s32 s19, s28  }
0x241: {  	s29 =	sadd.s32 $0x80000000, s1;
	v12, _, _ =	vpop (xrf0)  }
0x242: {  	v9 =	vadd.s32 s29, v9;
	(v2sf) =	vpush v12, $0xF  }
0x243: {  	s20 =	simm.s32 $0xE050;
	[tilespmem:s17+$0x0] =	vst v2;
	v15, _, _ =	vpop (xrf0);
	vm9 =	vgt.s32 v9, $0x1332  }
0x244: {  	v12 =	vld [tilespmem:s20+$0x0];
	v9 =	vsel vm9, $0x1, v2;
	v17, _, _ =	vpop (xrf0);
	(v2sf) =	vpush v15, $0xF  }
0x245: {  	s21 =	spop (v2sf);
	(xrf0) =	vadd.scan.msk.s32 $0xffff, v9;
	v9 =	vxor.u32 $0x80000000, v17  }
0x246: {  	s3 =	ssub.s32 $0x10, s21;
	(xrf0) =	vmax.scan.msk.u32 $0xffff, v9  }
0x247: {  	v9 =	vmov s3  }
0x248: {  	vm10 =	vgt.s32 v9, v0  }
0x249: {  	(xrf0) =	vadd.scan.msk.s32 $0xffff, v12;
	v8 =	vnsel vm10, $0x0, v8  }
0x24a: {  	s22 =	spop (v2sf)  }
0x24b: {  	s1 =	sadd.s32 s22, s29;
	v9, _, _ =	vpop (xrf0)  }
0x24c: {  	s23 =	simm.s32 $0xE060;
	[tilespmem:s20+$0x0] =	vst v2;
	s0 =	sadd.s32 $0x80000000, s1;
	(xrf0) =	vadd.scan.msk.s32 $0xffff, v8;
	(v2sf) =	vpush v9, $0xF;
	v8, _, _ =	vpop (xrf0)  }
0x24d: {  	v9 =	vadd.s32 s0, v16;
	(v2sf) =	vpush v8, $0xF;
	v8 =	vld [tilespmem:s23+$0x0]  }
0x24e: {  	vm11 =	vgt.s32 v9, $0x1332  }
0x24f: {  	v9 =	vsel vm11, $0x1, v2;
	v15, _, _ =	vpop (xrf0)  }
0x250: {  	(xrf0) =	vadd.scan.msk.s32 $0xffff, v9;
	v9 =	vxor.u32 $0x80000000, v15  }
0x251: {  	(xrf0) =	vmax.scan.msk.u32 $0xffff, v9;
	s4 =	spop (v2sf)  }
0x252: {  	v16, _, _ =	vpop (xrf0);
	(xrf0) =	vadd.scan.msk.s32 $0xffff, v8;
	s6 =	ssub.s32 $0x10, s4  }
0x253: {  	s5 =	spop (v2sf);
	v9 =	vmov s6  }
0x254: {  	(v2sf) =	vpush v16, $0xF;
	s5 =	sadd.s32 s5, s0;
	vm12 =	vgt.s32 v9, v0  }
0x255: {  	s1 =	sadd.s32 $0x80000000, s5;
	v14 =	vnsel vm12, $0x0, v14  }
0x256: {  	v16, _, _ =	vpop (xrf0);
	v17 =	vadd.s32 s1, v17;
	(xrf0) =	vadd.scan.msk.s32 $0xffff, v14  }
0x257: {  	v18, _, _ =	vpop (xrf0);
	vm13 =	vgt.s32 v17, $0x1332  }
0x258: {  	v17 =	vsel vm13, $0x1, v2;
	v14, _, _ =	vpop (xrf0)  }
0x259: {  	(xrf0) =	vadd.scan.msk.s32 $0xffff, v17;
	v17 =	vxor.u32 $0x80000000, v14  }
0x25a: {  	s24 =	simm.s32 $0xE070;
	p0 =	por $0x1, $0x1;
	p1 =	slt.s32 s3, $0x10;
	[tilespmem:s23+$0x0] =	vst v2  }
0x25b: {  	s25 =	simm.s32 $0x800;
	p0 =	por !p0, !p1;
	v9 =	vld [tilespmem:s24+$0x0];
	s12 =	spop (v2sf);
	(v2sf) =	vpush v16, $0xF  }
0x25c: {  	s2 =	ssub.s32 $0x10, s21;
	p1 =	por !p0, !p0;
	(xrf0) =	vmax.scan.msk.u32 $0xffff, v17;
	s30 =	spop (v2sf);
	(v2sf) =	vpush v18, $0xF;
	v17, _, _ =	vpop (xrf0)  }
0x25d: {  	s25 =	smov.u32 @p1 s2;
	s13 =	ssub.s32 $0x10, s12;
	s2 =	sadd.s32 s30, s1;
	(v2sf) =	vpush v17, $0xF  }
0x25e: {  	v16 =	vmov s13;
	s14 =	sadd.s32 $0x80000000, s2  }
0x25f: {  	s11 =	simm.s32 $0x30;
	v15 =	vadd.s32 s14, v15  }
0x260: {  	s10 =	simm.s32 $0x40;
	s9 =	simm.s32 $0x50;
	s8 =	simm.s32 $0x60;
	(xrf0) =	vadd.scan.msk.s32 $0xffff, v9  }
0x261: {  	s7 =	simm.s32 $0x70;
	p5 =	sgt.s32 s25, $0x7FF;
	p2 =	slt.s32 s6, $0x10;
	vm14 =	vgt.s32 v16, v0;
	v16, _, _ =	vpop (xrf0)  }
0x262: {  	s15 =	simm.s32 $0xA0;
	s3 =	simm.s32 $0x90;
	p0 =	por !p5, !p2;
	vm15 =	vgt.s32 v15, $0x1332;
	(v2sf) =	vpush v16, $0xF;
	v15, _, _ =	vpop (xrf0)  }
0x263: {  	p0 =	por !p0, !p0;
	s2 =	ssub.s32 $0x20, s4;
	s31 =	spop (v2sf);
	(v2sf) =	vpush v15, $0xF  }
0x264: {  	p1 =	por p1, p1;
	s6 =	simm.s32 $0x80;
	s25 =	smov.u32 @p0 s2;
	v13 =	vnsel vm14, $0x0, v13  }
0x265: {  	[tilespmem:s24+$0x0] =	vst v2;
	s5 =	simm.s32 $0xE080;
	p3 =	slt.s32 s13, $0x10;
	p6 =	sgt.s32 s25, $0x7FF;
	(xrf0) =	vadd.scan.msk.s32 $0xffff, v13;
	v16 =	vsel vm15, $0x1, v2  }
0x266: {  	s2 =	smov.u32 s14;
	v13 =	vld [tilespmem:s5+$0x0];
	[tilespmem:s5+$0x0] =	vst v2;
	p2 =	por !p6, !p3;
	s19 =	sadd.s32 $0x0, s31;
	v15, _, _ =	vpop (xrf0);
	(xrf0) =	vadd.scan.msk.s32 $0xffff, v16  }
.LBB2_23:
0x267: {  	p3 =	sne.s32 s15, $0x800  }
0x268: {  	s26 =	smov.u32 @p1 s19;
	s4 =	smov.u32 s15;
	s15 =	sadd.s32 $0x10, s15  }
0x269: {  	v17 =	vxor.u32 $0x80000000, v15;
	s13 =	smov.u32 s0;
	s0 =	smov.u32 s1;
	p1 =	por p0, p0  }
0x26a: {  	p0 =	por !p2, !p2;
	s1 =	ssub.s32 s11, s12;
	(xrf0) =	vmax.scan.msk.u32 $0xffff, v17;
	s12 =	spop (v2sf)  }
0x26b: {  	s11 =	smov.u32 s10;
	s25 =	smov.u32 @p0 s1;
	s16 =	ssub.s32 $0x10, s12;
	v16, _, _ =	vpop (xrf0)  }
0x26c: {  	p2 =	sgt.s32 s25, $0x7FF;
	(xrf0) =	vadd.scan.msk.s32 $0xffff, v13;
	s1 =	spop (v2sf);
	p4 =	slt.s32 s16, $0x10;
	v17 =	vmov s16;
	(v2sf) =	vpush v16, $0xF  }
0x26d: {  	s10 =	smov.u32 s9;
	s1 =	sadd.s32 s1, s14;
	p2 =	por !p2, !p4;
	vm0 =	vgt.s32 v17, v0  }
.Ltmp11:
0x26e: {  	s9 =	smov.u32 s8;
	s14 =	sadd.s32 $0x80000000, s1;
	v16, _, _ =	vpop (xrf0);
	v17 =	vnsel vm0, $0x0, v11;
	v11 =	vmov v10;
	v10 =	vmov v12;
	(pc) =	sbr.rel @p3 .LBB2_23-.Ltmp11, $4  }
0x26f: {  	s8 =	smov.u32 s7;
	s7 =	smov.u32 s6;
	s6 =	smov.u32 s3;
	v12 =	vmovc v8;
	v8 =	vmov v9;
	v18 =	vadd.s32 s14, v14;
	(v2sf) =	vpush v16, $0xF;
	(xrf0) =	vadd.scan.msk.s32 $0xffff, v17  }
0x270: {  	s5 =	sadd.s32 $0x10, s5;
	s3 =	smov.u32 s4;
	v9 =	vmov v13;
	s1 =	smov.u32 s2;
	v14 =	vmov v15;
	v16, _, _ =	vpop (xrf0);
	vm0 =	vgt.s32 v18, $0x1332  }
0x271: {  	s2 =	smov.u32 s14;
	v13 =	vld [tilespmem:s5+$0x0];
	(v2sf) =	vpush v16, $0xF;
	v16 =	vsel vm0, $0x1, v2;
	s4 =	spop (v2sf)  }
0x272: {  	[tilespmem:s5+$0x0] =	vst v2;
	v15, _, _ =	vpop (xrf0);
	(xrf0) =	vadd.scan.msk.s32 $0xffff, v16;
	s19 =	sadd.s32 s28, s4;
	s28 =	smov.u32 s29;
	s29 =	smov.u32 s13  }
0x273: {  	v16 =	vxor.u32 $0x80000000, v15  }
0x274: {  	(xrf0) =	vmax.scan.msk.u32 $0xffff, v16;
	_ =	sdelay $0x3  }
0x275: {  	v56, _, _ =	vpop (xrf0)  }
0x276: {  	(v2sf) =	vpush v56, $0xF;
	v57, _, _ =	vpop (xrf0)  }
0x277: {  	(v2sf) =	vpush v57, $0xF;
	v58, _, _ =	vpop (xrf0)  }
0x278: {  	(v2sf) =	vpush v58, $0xF;
	_ =	sdelay $0x6  }
0x279: {  	s4 =	spop (v2sf)  }
0x27a: {  	s5 =	spop (v2sf);
	(xrf0) =	vadd.scan.msk.s32 $0xffff, v13  }
0x27b: {  	s13 =	ssub.s32 $0x10, s4;
	s5 =	sadd.s32 s5, s14  }
0x27c: {  	v59 =	vmov s13;
	s21 =	sadd.s32 $0x80000000, s5;
	s16 =	spop (v2sf)  }
0x27d: {  	vm0 =	vgt.s32 v59, v0;
	v14 =	vadd.s32 s21, v14;
	s24 =	spop (v2sf)  }
0x27e: {  	v11 =	vnsel vm0, $0x0, v11;
	vm0 =	vgt.s32 v14, $0x1332;
	s30 =	spop (v2sf)  }
0x27f: {  	(xrf0) =	vadd.scan.msk.s32 $0xffff, v11;
	v11 =	vsel vm0, $0x1, v2;
	s15 =	ssub.s32 $0x10, s24;
	s17 =	sadd.s32 s30, s21;
	s14 =	spop (v2sf)  }
0x280: {  	(xrf0) =	vadd.scan.msk.s32 $0xffff, v11;
	v60, _, _ =	vpop (xrf0);
	v11 =	vmov s15;
	s22 =	sadd.s32 $0x80000000, s17;
	s31 =	spop (v2sf)  }
0x281: {  	v61 =	vxor.u32 $0x80000000, v60;
	vm0 =	vgt.s32 v11, v0;
	v11 =	vadd.s32 s22, v15;
	s20 =	spop (v2sf)  }
0x282: {  	(xrf0) =	vmax.scan.msk.u32 $0xffff, v61;
	v10 =	vnsel vm0, $0x0, v10;
	vm0 =	vgt.s32 v11, $0x1332;
	s23 =	ssub.s32 $0x10, s31;
	s20 =	sadd.s32 s20, s22  }
0x283: {  	(xrf0) =	vadd.scan.msk.s32 $0xffff, v10;
	v10 =	vsel vm0, $0x1, v2;
	v11 =	vmov s23;
	s20 =	sadd.s32 $0x80000000, s20  }
0x284: {  	(xrf0) =	vadd.scan.msk.s32 $0xffff, v10;
	v10 =	vadd.s32 s20, v60;
	_ =	sdelay $0x1  }
0x285: {  	vm0 =	vgt.s32 v11, v0;
	v11, _, _ =	vpop (xrf0)  }
0x286: {  	v12 =	vnsel vm0, $0x0, v12;
	vm0 =	vgt.s32 v10, $0x1332;
	(v2sf) =	vpush v11, $0xF;
	v10, _, _ =	vpop (xrf0)  }
0x287: {  	s11 =	ssub.s32 s11, s12;
	p2 =	por !p2, !p2;
	v11 =	vsel vm0, $0x1, v2;
	(xrf0) =	vadd.scan.msk.s32 $0xffff, v12;
	(v2sf) =	vpush v10, $0xF  }
0x288: {  	s25 =	smov.u32 @p2 s11;
	(xrf0) =	vadd.scan.msk.s32 $0xffff, v11;
	v10, _, _ =	vpop (xrf0)  }
0x289: {  	s12 =	simm.s32 @!p2 $0x0;
	p4 =	slt.s32 s13, $0x10;
	p3 =	sgt.s32 s25, $0x7FF;
	(v2sf) =	vpush v10, $0xF;
	v10, _, _ =	vpop (xrf0)  }
0x28a: {  	s12 =	simm.s32 @p2 $0x1;
	p2 =	por !p3, !p4;
	(v2sf) =	vpush v10, $0xF;
	v10, _, _ =	vpop (xrf0)  }
0x28b: {  	s4 =	ssub.s32 s10, s4;
	p2 =	por !p2, !p2;
	(v2sf) =	vpush v10, $0xF  }
0x28c: {  	s10 =	simm.s32 @!p2 $0x0;
	s25 =	smov.u32 @p2 s4  }
0x28d: {  	s10 =	simm.s32 @p2 $0x1;
	p2 =	sgt.s32 s25, $0x7FF;
	p5 =	slt.s32 s15, $0x10;
	v10, _, _ =	vpop (xrf0)  }
0x28e: {  	p2 =	por !p2, !p5;
	(v2sf) =	vpush v10, $0xF;
	v10, _, _ =	vpop (xrf0)  }
0x28f: {  	p2 =	por !p2, !p2;
	(v2sf) =	vpush v10, $0xF  }
0x290: {  	s4 =	simm.s32 @!p2 $0x0  }
0x291: {  	s4 =	simm.s32 @p2 $0x1  }
0x292: {  	[smem:$0x7FA] =	sst s4;
	s4 =	ssub.s32 s9, s24  }
0x293: {  	s25 =	smov.u32 @p2 s4  }
0x294: {  	p2 =	sgt.s32 s25, $0x7FF;
	p6 =	slt.s32 s23, $0x10  }
0x295: {  	p2 =	por !p2, !p6;
	s4 =	spop (v2sf)  }
0x296: {  	s5 =	ssub.s32 s8, s31;
	p5 =	por !p2, !p2;
	s15 =	spop (v2sf)  }
0x297: {  	s25 =	smov.u32 @p5 s5;
	s17 =	ssub.s32 $0x10, s15  }
0x298: {  	p4 =	sgt.s32 s25, $0x7FF;
	s23 =	spop (v2sf);
	p6 =	slt.s32 s17, $0x10  }
0x299: {  	s5 =	spop (v2sf);
	p2 =	por !p4, !p6  }
0x29a: {  	s7 =	ssub.s32 s7, s15;
	s24 =	spop (v2sf);
	p6 =	por !p2, !p2  }
0x29b: {  	s30 =	ssub.s32 $0x10, s24;
	s25 =	smov.u32 @p6 s7  }
0x29c: {  	s13 =	simm.s32 $0x0;
	p4 =	slt.s32 s30, $0x10;
	p3 =	sgt.s32 s25, $0x7FF  }
0x29d: {  	[smem:$0x7F8] =	sst s12;
	s31 =	spop (v2sf);
	p2 =	por !p3, !p4  }
0x29e: {  	s6 =	ssub.s32 s6, s24;
	s12 =	spop (v2sf);
	p3 =	por !p2, !p2  }
0x29f: {  	v11 =	vld [tilespmem:s13+$0xC000];
	v10 =	vmov s17;
	s15 =	ssub.s32 $0x10, s12;
	s25 =	smov.u32 @p3 s6  }
0x2a0: {  	vm0 =	vgt.s32 v10, v0;
	p4 =	slt.s32 s15, $0x10;
	p2 =	sgt.s32 s25, $0x7FF  }
0x2a1: {  	v8 =	vnsel vm0, $0x0, v8;
	v10 =	vmov s30;
	p2 =	por !p2, !p4  }
0x2a2: {  	(xrf0) =	vadd.scan.msk.s32 $0xffff, v8;
	vm0 =	vgt.s32 v10, v0;
	s3 =	ssub.s32 s3, s12;
	v62 =	vmov s15;
	p2 =	por !p2, !p2  }
0x2a3: {  	v8 =	vnsel vm0, $0x0, v9;
	vm0 =	vgt.s32 v62, v0;
	s25 =	smov.u32 @p2 s3  }
0x2a4: {  	v10 =	vshrl.u32 v11, $0x15;
	(xrf0) =	vadd.scan.msk.s32 $0xffff, v8;
	v9 =	vnsel vm0, $0x0, v13;
	v8 =	vmov s25  }
0x2a5: {  	(xrf0) =	vadd.scan.msk.s32 $0xffff, v9;
	vm0 =	veq.s32 v10, v8  }
0x2a6: {  	v9 =	vsel vm0, $0x1, v2  }
0x2a7: {  	(xrf0) =	vadd.scan.msk.s32 $0xffff, v9  }
0x2a8: {  	v10, _, _ =	vpop (xrf0)  }
0x2a9: {  	v63 =	vshrl.u32 v11, $0xA;
	(v2sf) =	vpush v10, $0xF  }
0x2aa: {  	v12 =	vand.u32 $0x7FF, v63;
	v10, _, _ =	vpop (xrf0)  }
0x2ab: {  	(v2sf) =	vpush v10, $0xF;
	v10, _, _ =	vpop (xrf0)  }
0x2ac: {  	(v2sf) =	vpush v10, $0xF  }
0x2ad: {  	v10, _, _ =	vpop (xrf0)  }
0x2ae: {  	[smem:$0x7F9] =	sst s10;
	(v2sf) =	vpush v10, $0xF  }
0x2af: {  	s23 =	sld [smem:$0x7F8];
	s3 =	simm.s32 $0x0;
	[tilespmem:v12+s18+$0x0] =	vst.idx.add.s32.msk $0xffff, v9  }
0x2b0: {  	s17 =	simm.s32 $0x10;
	s24 =	sld [smem:$0x7F9];
	[tilespmem:s3+$0x10900] =	vst.msk vm0, v11  }
0x2b1: {  	s26 =	smov.u32 @p1 s19;
	v9 =	vld [tilespmem:s17+$0xC000]  }
0x2b2: {  	p0 =	por p0, p0;
	s6 =	sadd.s32 s28, s16;
	s28 =	sld [smem:$0x7FA]  }
0x2b3: {  	s0 =	sadd.s32 s0, s4;
	p1 =	seq.s32 s24, $0x1;
	p4 =	seq.s32 s23, $0x1  }
0x2b4: {  	s26 =	smov.u32 @p0 s6;
	s6 =	sadd.s32 s29, s14;
	p0 =	por p4, p4  }
0x2b5: {  	p4 =	seq.s32 s28, $0x1;
	s26 =	smov.u32 @p0 s6;
	p0 =	por p1, p1  }
0x2b6: {  	s26 =	smov.u32 @p0 s0;
	p0 =	por p4, p4;
	s0 =	sadd.s32 s1, s5;
	v11 =	vshrl.u32 v9, $0x15  }
0x2b7: {  	s26 =	smov.u32 @p0 s0;
	v10 =	vshrl.u32 v9, $0xA;
	vm0 =	veq.s32 v11, v8  }
0x2b8: {  	p0 =	por p5, p5;
	s0 =	sadd.s32 s2, s31;
	v10 =	vand.u32 $0x7FF, v10;
	v11 =	vsel vm0, $0x1, v2;
	s29 =	spop (v2sf)  }
0x2b9: {  	s26 =	smov.u32 @p0 s0;
	p0 =	por p6, p6;
	(xrf0) =	vadd.scan.msk.s32 $0xffff, v11;
	s0 =	sadd.s32 s21, s29  }
0x2ba: {  	s30 =	spop (v2sf);
	s26 =	smov.u32 @p0 s0  }
0x2bb: {  	p0 =	por p3, p3;
	s0 =	sadd.s32 s22, s30;
	s31 =	spop (v2sf)  }
0x2bc: {  	s26 =	smov.u32 @p0 s0;
	p0 =	por p2, p2;
	s0 =	sadd.s32 s20, s31  }
0x2bd: {  	[tilespmem:v10+s18+$0x0] =	vst.idx.add.s32.msk $0xffff, v11;
	s26 =	smov.u32 @p0 s0;
	s0 =	simm.s32 $0x80;
	s1 =	spop (v2sf)  }
.LBB2_25:
0x2be: {  	p0 =	sne.s32 s0, $0x7FC0  }
0x2bf: {  	v10, _, _ =	vpop (xrf0);
	s3 =	sadd.s32 s3, s1;
	s1 =	smov.u32 s0;
	s0 =	sadd.s32 $0x40, s0  }
0x2c0: {  	[tilespmem:s3+$0x10900] =	vst.msk vm0, v9;
	(v2sf) =	vpush v10, $0xF  }
0x2c1: {  	s1 =	sshra.s32 s1, $0x2  }
0x2c2: {  	v9 =	vld [tilespmem:s1+$0xC000];
	_ =	sdelay $0x4  }
0x2c3: {  	v10 =	vshrl.u32 v9, $0x15;
	v11 =	vshrl.u32 v9, $0xA  }
0x2c4: {  	vm0 =	veq.s32 v10, v8;
	v10 =	vand.u32 $0x7FF, v11  }
0x2c5: {  	v11 =	vsel vm0, $0x1, v2  }
0x2c6: {  	(xrf0) =	vadd.scan.msk.s32 $0xffff, v11  }
.Ltmp12:
0x2c7: {  	(pc) =	sbr.rel @p0 .LBB2_25-.Ltmp12, $3  }
0x2c8: {  	_ = 	snop  }
0x2c9: {  	[tilespmem:v10+s18+$0x0] =	vst.idx.add.s32.msk $0xffff, v11;
	_ =	sdelay $0x1  }
0x2ca: {  	s1 =	spop (v2sf)  }
0x2cb: {  	v8, _, _ =	vpop (xrf0)  }
0x2cc: {  	(v2sf) =	vpush v8, $0xF;
	_ =	sdelay $0xe  }
0x2cd: {  	s0 =	sadd.s32 s3, s1;
	s15 =	spop (v2sf)  }
0x2ce: {  	[tilespmem:s0+$0x10900] =	vst.msk vm0, v9;
	s0 =	sadd.s32 s0, s15  }
0x2cf: {  	s16 =	simm.s32 $0xE000;
	[tilespmem:s0+$0x10900] =	vst v7  }
0x2d0: {  	v11 =	vld [tilespmem:s16+$0x0];
	_ =	sdelay $0x4  }
0x2d1: {  	(xrf0) =	vadd.scan.msk.s32 $0xffff, v11;
	_ =	sdelay $0x3  }
0x2d2: {  	s17 =	simm.s32 $0xE010;
	[tilespmem:s16+$0x0] =	vst v2  }
0x2d3: {  	v15 =	vld [tilespmem:s17+$0x0]  }
0x2d4: {  	v9, _, _ =	vpop (xrf0)  }
0x2d5: {  	v8 =	vxor.u32 $0x80000000, v9  }
0x2d6: {  	(xrf0) =	vmax.scan.msk.u32 $0xffff, v8;
	_ =	sdelay $0x1  }
0x2d7: {  	(xrf0) =	vadd.scan.msk.s32 $0xffff, v15;
	_ =	sdelay $0x3  }
0x2d8: {  	s19 =	simm.s32 $0xE020;
	[tilespmem:s17+$0x0] =	vst v2;
	v8, _, _ =	vpop (xrf0)  }
0x2d9: {  	v14 =	vld [tilespmem:s19+$0x0];
	(v2sf) =	vpush v8, $0xF  }
0x2da: {  	v12, _, _ =	vpop (xrf0)  }
0x2db: {  	v8 =	vxor.u32 $0x80000000, v12  }
0x2dc: {  	(xrf0) =	vmax.scan.msk.u32 $0xffff, v8;
	_ =	sdelay $0x1  }
0x2dd: {  	s20 =	ssub.s32 $0x1333, s26;
	s28 =	simm.s32 $0x0;
	(xrf0) =	vadd.scan.msk.s32 $0xffff, v14  }
0x2de: {  	v9 =	vadd.s32 s28, v9;
	v8 =	vmov s20  }
0x2df: {  	vm7 =	vge.s32 v9, v8  }
0x2e0: {  	v13 =	vsel vm7, $0x1, v2  }
0x2e1: {  	s21 =	simm.s32 $0xE030;
	[tilespmem:s19+$0x0] =	vst v2;
	(xrf0) =	vadd.scan.msk.s32 $0xffff, v13;
	v9, _, _ =	vpop (xrf0)  }
0x2e2: {  	v10 =	vld [tilespmem:s21+$0x0];
	(v2sf) =	vpush v9, $0xF  }
0x2e3: {  	v13, _, _ =	vpop (xrf0)  }
0x2e4: {  	v9 =	vxor.u32 $0x80000000, v13;
	_ =	sdelay $0x1  }
0x2e5: {  	(xrf0) =	vmax.scan.msk.u32 $0xffff, v9  }
0x2e6: {  	(xrf0) =	vadd.scan.msk.s32 $0xffff, v10;
	v9, _, _ =	vpop (xrf0);
	s22 =	spop (v2sf)  }
0x2e7: {  	(v2sf) =	vpush v9, $0xF;
	s1 =	sadd.s32 $0x0, s22  }
0x2e8: {  	[dreg:$0x13] =	wrdreg s0;
	s0 =	sadd.s32 $0x80000000, s1  }
0x2e9: {  	s23 =	simm.s32 $0xE040;
	[tilespmem:s21+$0x0] =	vst v2;
	v12 =	vadd.s32 s0, v12  }
0x2ea: {  	v9 =	vld [tilespmem:s23+$0x0];
	vm8 =	vge.s32 v12, v8  }
0x2eb: {  	v16, _, _ =	vpop (xrf0);
	v12 =	vsel vm8, $0x1, v2  }
0x2ec: {  	v17, _, _ =	vpop (xrf0);
	(v2sf) =	vpush v16, $0xF;
	(xrf0) =	vadd.scan.msk.s32 $0xffff, v12  }
0x2ed: {  	v12 =	vxor.u32 $0x80000000, v17  }
0x2ee: {  	(xrf0) =	vmax.scan.msk.u32 $0xffff, v12  }
0x2ef: {  	(xrf0) =	vadd.scan.msk.s32 $0xffff, v9  }
0x2f0: {  	s2 =	spop (v2sf)  }
0x2f1: {  	s2 =	sadd.s32 s2, s0  }
0x2f2: {  	s2 =	sadd.s32 $0x80000000, s2;
	v12, _, _ =	vpop (xrf0)  }
0x2f3: {  	v13 =	vadd.s32 s2, v13;
	(v2sf) =	vpush v12, $0xF  }
0x2f4: {  	s24 =	simm.s32 $0xE050;
	[tilespmem:s23+$0x0] =	vst v2;
	v16, _, _ =	vpop (xrf0);
	vm9 =	vge.s32 v13, v8  }
0x2f5: {  	v12 =	vld [tilespmem:s24+$0x0];
	v13 =	vsel vm9, $0x1, v2;
	v18, _, _ =	vpop (xrf0);
	(v2sf) =	vpush v16, $0xF  }
0x2f6: {  	s4 =	spop (v2sf);
	(xrf0) =	vadd.scan.msk.s32 $0xffff, v13;
	v13 =	vxor.u32 $0x80000000, v18  }
0x2f7: {  	s5 =	ssub.s32 $0x10, s4;
	(xrf0) =	vmax.scan.msk.u32 $0xffff, v13  }
0x2f8: {  	v13 =	vmov s5  }
0x2f9: {  	vm10 =	vgt.s32 v13, v0  }
0x2fa: {  	(xrf0) =	vadd.scan.msk.s32 $0xffff, v12;
	v11 =	vnsel vm10, $0x0, v11  }
0x2fb: {  	s26 =	spop (v2sf)  }
0x2fc: {  	s3 =	sadd.s32 s26, s2;
	v13, _, _ =	vpop (xrf0)  }
0x2fd: {  	s29 =	simm.s32 $0xE060;
	[tilespmem:s24+$0x0] =	vst v2;
	s3 =	sadd.s32 $0x80000000, s3;
	(xrf0) =	vadd.scan.msk.s32 $0xffff, v11;
	(v2sf) =	vpush v13, $0xF;
	v11, _, _ =	vpop (xrf0)  }
0x2fe: {  	v13 =	vadd.s32 s3, v17;
	(v2sf) =	vpush v11, $0xF;
	v11 =	vld [tilespmem:s29+$0x0]  }
0x2ff: {  	vm11 =	vge.s32 v13, v8  }
0x300: {  	v13 =	vsel vm11, $0x1, v2;
	v16, _, _ =	vpop (xrf0)  }
0x301: {  	(xrf0) =	vadd.scan.msk.s32 $0xffff, v13;
	v13 =	vxor.u32 $0x80000000, v16  }
0x302: {  	(xrf0) =	vmax.scan.msk.u32 $0xffff, v13;
	s10 =	spop (v2sf)  }
0x303: {  	v17, _, _ =	vpop (xrf0);
	(xrf0) =	vadd.scan.msk.s32 $0xffff, v11;
	s7 =	ssub.s32 $0x10, s10  }
0x304: {  	s6 =	spop (v2sf);
	v13 =	vmov s7  }
0x305: {  	(v2sf) =	vpush v17, $0xF;
	s6 =	sadd.s32 s6, s3;
	vm12 =	vgt.s32 v13, v0  }
0x306: {  	s6 =	sadd.s32 $0x80000000, s6;
	v15 =	vnsel vm12, $0x0, v15  }
0x307: {  	v17, _, _ =	vpop (xrf0);
	v18 =	vadd.s32 s6, v18;
	(xrf0) =	vadd.scan.msk.s32 $0xffff, v15  }
0x308: {  	v19, _, _ =	vpop (xrf0);
	vm13 =	vge.s32 v18, v8  }
0x309: {  	v18 =	vsel vm13, $0x1, v2;
	v15, _, _ =	vpop (xrf0)  }
0x30a: {  	(xrf0) =	vadd.scan.msk.s32 $0xffff, v18;
	v18 =	vxor.u32 $0x80000000, v15  }
0x30b: {  	s13 =	simm.s32 $0xE070;
	p0 =	por $0x1, $0x1;
	p1 =	slt.s32 s5, $0x10;
	[tilespmem:s29+$0x0] =	vst v2  }
0x30c: {  	s1 =	simm.s32 $0x800;
	p0 =	por !p0, !p1;
	v13 =	vld [tilespmem:s13+$0x0];
	s12 =	spop (v2sf);
	(v2sf) =	vpush v17, $0xF  }
0x30d: {  	s4 =	ssub.s32 $0x10, s4;
	p1 =	por !p0, !p0;
	(xrf0) =	vmax.scan.msk.u32 $0xffff, v18;
	s30 =	spop (v2sf);
	(v2sf) =	vpush v19, $0xF;
	v18, _, _ =	vpop (xrf0)  }
0x30e: {  	s1 =	smov.u32 @p1 s4;
	s15 =	ssub.s32 $0x10, s12;
	s4 =	sadd.s32 s30, s6;
	(v2sf) =	vpush v18, $0xF  }
0x30f: {  	v17 =	vmov s15;
	s14 =	sadd.s32 $0x80000000, s4  }
0x310: {  	s9 =	simm.s32 $0x40;
	s8 =	simm.s32 $0x50;
	v16 =	vadd.s32 s14, v16  }
0x311: {  	s11 =	simm.s32 $0x90;
	[dreg:$0x11] =	wrdreg s20;
	s16 =	simm.s32 $0xA0;
	(xrf0) =	vadd.scan.msk.s32 $0xffff, v13  }
0x312: {  	s19 =	simm.s32 $0x30;
	p5 =	sgt.s32 s1, $0x7FF;
	p2 =	slt.s32 s7, $0x10;
	vm14 =	vgt.s32 v17, v0;
	v17, _, _ =	vpop (xrf0)  }
0x313: {  	s21 =	simm.s32 $0x70;
	s22 =	simm.s32 $0x60;
	p0 =	por !p5, !p2;
	vm15 =	vge.s32 v16, v8;
	(v2sf) =	vpush v17, $0xF;
	v16, _, _ =	vpop (xrf0)  }
0x314: {  	p0 =	por !p0, !p0;
	s4 =	ssub.s32 $0x20, s10;
	s31 =	spop (v2sf);
	(v2sf) =	vpush v16, $0xF  }
0x315: {  	s5 =	simm.s32 $0xE080;
	p1 =	por p1, p1;
	s1 =	smov.u32 @p0 s4;
	v14 =	vnsel vm14, $0x0, v14  }
0x316: {  	s7 =	simm.s32 $0x80;
	[tilespmem:s13+$0x0] =	vst v2;
	p3 =	slt.s32 s15, $0x10;
	p6 =	sgt.s32 s1, $0x7FF;
	(xrf0) =	vadd.scan.msk.s32 $0xffff, v14;
	v17 =	vsel vm15, $0x1, v2  }
0x317: {  	s10 =	smov.u32 s14;
	v14 =	vld [tilespmem:s5+$0x0];
	[tilespmem:s5+$0x0] =	vst v2;
	p2 =	por !p6, !p3;
	s15 =	sadd.s32 $0x0, s31;
	v16, _, _ =	vpop (xrf0);
	(xrf0) =	vadd.scan.msk.s32 $0xffff, v17  }
.LBB2_27:
0x318: {  	p3 =	sne.s32 s16, $0x800  }
0x319: {  	s28 =	smov.u32 @p1 s15;
	s4 =	smov.u32 s16;
	s16 =	sadd.s32 $0x10, s16  }
0x31a: {  	v18 =	vxor.u32 $0x80000000, v16;
	s13 =	smov.u32 s3;
	s3 =	smov.u32 s6;
	p1 =	por p0, p0  }
0x31b: {  	p0 =	por !p2, !p2;
	s6 =	ssub.s32 s19, s12;
	(xrf0) =	vmax.scan.msk.u32 $0xffff, v18;
	s12 =	spop (v2sf)  }
0x31c: {  	s19 =	smov.u32 s9;
	s1 =	smov.u32 @p0 s6;
	s15 =	ssub.s32 $0x10, s12;
	v17, _, _ =	vpop (xrf0)  }
0x31d: {  	p2 =	sgt.s32 s1, $0x7FF;
	(xrf0) =	vadd.scan.msk.s32 $0xffff, v14;
	s6 =	spop (v2sf);
	p4 =	slt.s32 s15, $0x10;
	v18 =	vmov s15;
	(v2sf) =	vpush v17, $0xF  }
0x31e: {  	s9 =	smov.u32 s8;
	s6 =	sadd.s32 s6, s14;
	p2 =	por !p2, !p4;
	vm0 =	vgt.s32 v18, v0  }
.Ltmp13:
0x31f: {  	s8 =	smov.u32 s22;
	s14 =	sadd.s32 $0x80000000, s6;
	v17, _, _ =	vpop (xrf0);
	v18 =	vnsel vm0, $0x0, v10;
	v10 =	vmov v9;
	v9 =	vmov v12;
	(pc) =	sbr.rel @p3 .LBB2_27-.Ltmp13, $4  }
0x320: {  	s22 =	smov.u32 s21;
	s21 =	smov.u32 s7;
	s7 =	smov.u32 s11;
	v12 =	vmovc v11;
	v11 =	vmov v13;
	v19 =	vadd.s32 s14, v15;
	(v2sf) =	vpush v17, $0xF;
	(xrf0) =	vadd.scan.msk.s32 $0xffff, v18  }
0x321: {  	s5 =	sadd.s32 $0x10, s5;
	s11 =	smov.u32 s4;
	v13 =	vmov v14;
	s6 =	smov.u32 s10;
	v15 =	vmov v16;
	v17, _, _ =	vpop (xrf0);
	vm0 =	vge.s32 v19, v8  }
0x322: {  	s10 =	smov.u32 s14;
	v14 =	vld [tilespmem:s5+$0x0];
	(v2sf) =	vpush v17, $0xF;
	v17 =	vsel vm0, $0x1, v2;
	s4 =	spop (v2sf)  }
0x323: {  	[tilespmem:s5+$0x0] =	vst v2;
	v16, _, _ =	vpop (xrf0);
	(xrf0) =	vadd.scan.msk.s32 $0xffff, v17;
	s15 =	sadd.s32 s0, s4;
	s0 =	smov.u32 s2;
	s2 =	smov.u32 s13  }
0x324: {  	v17 =	vxor.u32 $0x80000000, v16  }
0x325: {  	(xrf0) =	vmax.scan.msk.u32 $0xffff, v17;
	_ =	sdelay $0x3  }
0x326: {  	v49, _, _ =	vpop (xrf0)  }
0x327: {  	(v2sf) =	vpush v49, $0xF;
	v50, _, _ =	vpop (xrf0)  }
0x328: {  	(v2sf) =	vpush v50, $0xF;
	v51, _, _ =	vpop (xrf0)  }
0x329: {  	(v2sf) =	vpush v51, $0xF;
	_ =	sdelay $0x4  }
0x32a: {  	s24 =	spop (v2sf)  }
0x32b: {  	s4 =	spop (v2sf);
	(xrf0) =	vadd.scan.msk.s32 $0xffff, v14  }
0x32c: {  	s31 =	ssub.s32 $0x10, s24;
	s4 =	sadd.s32 s4, s14  }
0x32d: {  	v52 =	vmov s31;
	s17 =	sadd.s32 $0x80000000, s4;
	s30 =	spop (v2sf)  }
0x32e: {  	vm0 =	vgt.s32 v52, v0;
	v15 =	vadd.s32 s17, v15;
	s16 =	spop (v2sf)  }
0x32f: {  	v10 =	vnsel vm0, $0x0, v10;
	vm8 =	vge.s32 v15, v8;
	s13 =	spop (v2sf)  }
0x330: {  	(xrf0) =	vadd.scan.msk.s32 $0xffff, v10;
	v53 =	vsel vm8, $0x1, v2;
	s23 =	ssub.s32 $0x10, s16;
	s13 =	sadd.s32 s13, s17  }
0x331: {  	(xrf0) =	vadd.scan.msk.s32 $0xffff, v53;
	v54, _, _ =	vpop (xrf0);
	v55 =	vmov s23;
	s20 =	sadd.s32 $0x80000000, s13  }
0x332: {  	v56 =	vxor.u32 $0x80000000, v54;
	vm9 =	vgt.s32 v55, v0;
	v57 =	vadd.s32 s20, v16;
	s5 =	spop (v2sf)  }
0x333: {  	[dreg:$0x18] =	wrdreg s30;
	(xrf0) =	vmax.scan.msk.u32 $0xffff, v56;
	v9 =	vnsel vm9, $0x0, v9;
	vm10 =	vge.s32 v57, v8;
	s30 =	spop (v2sf)  }
0x334: {  	(xrf0) =	vadd.scan.msk.s32 $0xffff, v9;
	v58 =	vsel vm10, $0x1, v2;
	s13 =	spop (v2sf)  }
0x335: {  	(xrf0) =	vadd.scan.msk.s32 $0xffff, v58;
	s29 =	ssub.s32 $0x10, s30;
	s14 =	sadd.s32 s13, s20  }
0x336: {  	v59, _, _ =	vpop (xrf0);
	v60 =	vmov s29;
	s26 =	sadd.s32 $0x80000000, s14  }
0x337: {  	(v2sf) =	vpush v59, $0xF;
	v61, _, _ =	vpop (xrf0);
	vm11 =	vgt.s32 v60, v0;
	v62 =	vadd.s32 s26, v54  }
0x338: {  	(v2sf) =	vpush v61, $0xF;
	v10 =	vnsel vm11, $0x0, v12;
	vm12 =	vge.s32 v62, v8  }
0x339: {  	(xrf0) =	vadd.scan.msk.s32 $0xffff, v10;
	v8, _, _ =	vpop (xrf0);
	v9 =	vsel vm12, $0x1, v2  }
0x33a: {  	(v2sf) =	vpush v8, $0xF;
	v8, _, _ =	vpop (xrf0);
	(xrf0) =	vadd.scan.msk.s32 $0xffff, v9  }
0x33b: {  	(v2sf) =	vpush v8, $0xF;
	v8, _, _ =	vpop (xrf0)  }
0x33c: {  	(v2sf) =	vpush v8, $0xF;
	_ =	sdelay $0x2  }
0x33d: {  	v8, _, _ =	vpop (xrf0)  }
0x33e: {  	(v2sf) =	vpush v8, $0xF;
	v8, _, _ =	vpop (xrf0)  }
0x33f: {  	(v2sf) =	vpush v8, $0xF;
	_ =	sdelay $0x4  }
0x340: {  	s14 =	spop (v2sf)  }
0x341: {  	s13 =	spop (v2sf)  }
0x342: {  	s4 =	ssub.s32 $0x10, s13  }
0x343: {  	[dreg:$0x16] =	wrdreg s26;
	v8 =	vmov s4;
	s26 =	spop (v2sf)  }
0x344: {  	[dreg:$0x1a] =	wrdreg s5;
	vm13 =	vgt.s32 v8, v0;
	s5 =	spop (v2sf)  }
0x345: {  	s12 =	ssub.s32 s19, s12;
	p2 =	por !p2, !p2;
	v8 =	vnsel vm13, $0x0, v11;
	s26 =	spop (v2sf)  }
0x346: {  	s1 =	smov.u32 @p2 s12;
	(xrf0) =	vadd.scan.msk.s32 $0xffff, v8;
	[dreg:$0x1b] =	wrdreg s5;
	s5 =	ssub.s32 $0x10, s26  }
0x347: {  	p3 =	slt.s32 s31, $0x10;
	p4 =	sgt.s32 s1, $0x7FF;
	v8 =	vmov s5  }
0x348: {  	p3 =	por !p4, !p3;
	vm14 =	vgt.s32 v8, v0  }
0x349: {  	s9 =	ssub.s32 s9, s24;
	p3 =	por !p3, !p3;
	s19 =	spop (v2sf);
	v8 =	vnsel vm14, $0x0, v13  }
0x34a: {  	s1 =	smov.u32 @p3 s9;
	s12 =	spop (v2sf)  }
0x34b: {  	p5 =	sgt.s32 s1, $0x7FF;
	p6 =	slt.s32 s23, $0x10;
	(xrf0) =	vadd.scan.msk.s32 $0xffff, v8;
	s24 =	ssub.s32 $0x10, s12  }
0x34c: {  	s28 =	smov.u32 @p1 s15;
	p4 =	por !p5, !p6;
	v8, _, _ =	vpop (xrf0);
	v63 =	vmov s24  }
0x34d: {  	s31 =	rddreg [dreg:$0x18];
	s8 =	ssub.s32 s8, s16;
	p4 =	por !p4, !p4;
	(v2sf) =	vpush v8, $0xF;
	vm15 =	vgt.s32 v63, v0  }
0x34e: {  	p0 =	por p0, p0;
	s0 =	sadd.s32 s0, s31;
	s1 =	smov.u32 @p4 s8;
	v8 =	vnsel vm15, $0x0, v14  }
0x34f: {  	p6 =	sgt.s32 s1, $0x7FF;
	s9 =	rddreg [dreg:$0x1a];
	p5 =	slt.s32 s29, $0x10  }
0x350: {  	s28 =	smov.u32 @p0 s0;
	s2 =	sadd.s32 s2, s9;
	p1 =	por !p6, !p5;
	(xrf0) =	vadd.scan.msk.s32 $0xffff, v8  }
0x351: {  	s0 =	ssub.s32 s22, s30;
	p0 =	por !p1, !p1;
	p1 =	por p2, p2;
	v8, _, _ =	vpop (xrf0)  }
0x352: {  	p2 =	por p3, p3;
	s1 =	smov.u32 @p0 s0;
	s28 =	smov.u32 @p1 s2;
	(v2sf) =	vpush v8, $0xF  }
0x353: {  	p6 =	sgt.s32 s1, $0x7FF;
	s0 =	sadd.s32 s3, s14;
	p5 =	slt.s32 s4, $0x10  }
0x354: {  	p0 =	por p0, p0;
	s28 =	smov.u32 @p2 s0;
	p1 =	por !p6, !p5  }
0x355: {  	s0 =	ssub.s32 s21, s13;
	p1 =	por !p1, !p1;
	s15 =	rddreg [dreg:$0x1b]  }
0x356: {  	p2 =	por p4, p4;
	s1 =	smov.u32 @p1 s0;
	s2 =	sadd.s32 s6, s15;
	v8, _, _ =	vpop (xrf0)  }
0x357: {  	p5 =	sgt.s32 s1, $0x7FF;
	p6 =	slt.s32 s5, $0x10;
	s28 =	smov.u32 @p2 s2;
	(v2sf) =	vpush v8, $0xF  }
0x358: {  	p2 =	por !p5, !p6;
	s0 =	sadd.s32 s10, s19;
	s19 =	rddreg [dreg:$0x13]  }
0x359: {  	s28 =	smov.u32 @p0 s0;
	p0 =	por !p2, !p2;
	s0 =	ssub.s32 s7, s26  }
0x35a: {  	p1 =	por p1, p1;
	s2 =	sadd.s32 $0xF, s19;
	s1 =	smov.u32 @p0 s0  }
0x35b: {  	s22 =	sand.u32 $0xF, s2;
	s23 =	sshra.s32 s2, $0x1F;
	p5 =	slt.s32 s2, $0x1  }
0x35c: {  	p3 =	sgt.s32 s1, $0x7FF;
	p6 =	sne.s32 s22, $0x0;
	s16 =	spop (v2sf)  }
0x35d: {  	p4 =	slt.s32 s24, $0x10;
	s24 =	sshrl.u32 s23, $0x1C;
	s0 =	sadd.s32 s17, s16  }
0x35e: {  	p2 =	por !p3, !p4;
	s2 =	sadd.s32 s24, s2;
	s28 =	smov.u32 @p1 s0  }
0x35f: {  	p1 =	por p0, p0;
	p0 =	por !p2, !p2;
	p2 =	por !p5, !p6  }
0x360: {  	s3 =	simm.s32 $0x1;
	s26 =	sshra.s32 s2, $0x4;
	p2 =	por !p2, !p2  }
0x361: {  	s0 =	ssub.s32 s11, s12;
	s3 =	simm.s32 @!p2 $0x0;
	s21 =	spop (v2sf)  }
0x362: {  	s1 =	smov.u32 @p0 s0;
	s2 =	ssub.s32 s26, s3;
	s0 =	sadd.s32 s20, s21  }
0x363: {  	s28 =	smov.u32 @p1 s0;
	p1 =	slt.s32 s2, $0x1  }
.Ltmp14:
0x364: {  	_ = 	snop;
	(pc) =	sbr.rel @p1 .LBB2_32-.Ltmp14, $4  }
0x365: {  	_ = 	snop  }
0x366: {  	s30 =	rddreg [dreg:$0x16];
	s29 =	spop (v2sf)  }
0x367: {  	s31 =	sshll.u32 s25, $0xB;
	p0 =	por p0, p0;
	s0 =	sadd.s32 s30, s29  }
0x368: {  	s12 =	rddreg [dreg:$0xc];
	s28 =	smov.u32 @p0 s0;
	s0 =	sadd.s32 s31, s1  }
0x369: {  	p0 =	seq.s32 s2, $0x1  }
.Ltmp15:
0x36a: {  	_ = 	snop;
	(pc) =	sbr.rel @p0 .LBB2_31-.Ltmp15, $3  }
0x36b: {  	_ =	sdelay $0x1  }
0x36c: {  	s1 =	simm.s32 $0x10900  }
0x36d: {  	v8 =	vmov s0;
	s2 =	sadd.s32 $0xFFFFFFFF, s2;
	v9 =	vld [tilespmem:s1+$0x0]  }
.LBB2_30:
0x36e: {  	p0 =	seq.s32 s2, $0x1;
	_ =	sdelay $0x3  }
0x36f: {  	v10 =	vand.u32 $0x3FF, v9;
	_ =	sdelay $0x1  }
.Ltmp16:
0x370: {  	v9 =	vshrl.u32 v9, $0xA;
	(pc) =	sbr.rel @!p0 .LBB2_30-.Ltmp16, $4  }
0x371: {  	vm0 =	veq.s32 v9, v8  }
0x372: {  	v9 =	vsel vm0, $0x1, v2  }
0x373: {  	s1 =	sadd.s32 $0x10, s1;
	[tilespmem:v10+s18+$0x0] =	vst.idx.add.s32.msk $0xffff, v9  }
0x374: {  	s2 =	sadd.s32 $0xFFFFFFFF, s2;
	v9 =	vld [tilespmem:s1+$0x0]  }
.LBB2_31:
0x375: {  	_ =	sdelay $0x3  }
0x376: {  	v10 =	vand.u32 $0x3FF, v9;
	_ =	sdelay $0x1  }
0x377: {  	v63 =	vshrl.u32 v9, $0xA  }
0x378: {  	vm0 =	veq.s32 v63, v8  }
0x379: {  	v8 =	vsel vm0, $0x1, v2  }
0x37a: {  	[tilespmem:v10+s18+$0x0] =	vst.idx.add.s32.msk $0xffff, v8  }
.LBB2_32:
0x37b: {  	s3 =	simm.s32 $0xE000  }
0x37c: {  	v9 =	vld [tilespmem:s3+$0x0];
	_ =	sdelay $0x4  }
0x37d: {  	(xrf0) =	vadd.scan.msk.s32 $0xffff, v9;
	_ =	sdelay $0x2  }
0x37e: {  	s26 =	simm.s32 $0xE010;
	[tilespmem:s3+$0x0] =	vst v2  }
0x37f: {  	v9 =	vld [tilespmem:s26+$0x0];
	_ =	sdelay $0x1  }
0x380: {  	v10, _, _ =	vpop (xrf0)  }
0x381: {  	v11 =	vxor.u32 $0x80000000, v10  }
0x382: {  	(xrf0) =	vmax.scan.msk.u32 $0xffff, v11  }
0x383: {  	(xrf0) =	vadd.scan.msk.s32 $0xffff, v9;
	_ =	sdelay $0x4  }
0x384: {  	v9, _, _ =	vpop (xrf0)  }
0x385: {  	s1 =	rddreg [dreg:$0x11];
	v11, _, _ =	vpop (xrf0)  }
0x386: {  	s1 =	ssub.s32 s1, s28;
	s28 =	simm.s32 $0xE020;
	[tilespmem:s26+$0x0] =	vst v2;
	v13 =	vxor.u32 $0x80000000, v11  }
0x387: {  	s2 =	simm.s32 $0x0;
	v12 =	vld [tilespmem:s28+$0x0];
	(xrf0) =	vmax.scan.msk.u32 $0xffff, v13  }
0x388: {  	v8 =	vmov s1;
	(v2sf) =	vpush v9, $0xF;
	v9 =	vadd.s32 s2, v10  }
0x389: {  	vm0 =	vge.s32 v9, v8  }
0x38a: {  	v9 =	vsel vm0, $0x1, v2;
	_ =	sdelay $0x1  }
0x38b: {  	(xrf0) =	vadd.scan.msk.s32 $0xffff, v12  }
0x38c: {  	(xrf0) =	vadd.scan.msk.s32 $0xffff, v9;
	v9, _, _ =	vpop (xrf0)  }
0x38d: {  	(v2sf) =	vpush v9, $0xF;
	_ =	sdelay $0x5  }
0x38e: {  	v10, _, _ =	vpop (xrf0)  }
0x38f: {  	v9, _, _ =	vpop (xrf0)  }
0x390: {  	s29 =	simm.s32 $0xE030;
	[tilespmem:s28+$0x0] =	vst v2;
	(v2sf) =	vpush v9, $0xF  }
0x391: {  	v61 =	vxor.u32 $0x80000000, v10;
	v9 =	vld [tilespmem:s29+$0x0];
	s30 =	spop (v2sf)  }
0x392: {  	(xrf0) =	vmax.scan.msk.u32 $0xffff, v61;
	s3 =	sadd.s32 $0x0, s30  }
0x393: {  	s3 =	sadd.s32 $0x80000000, s3  }
0x394: {  	v11 =	vadd.s32 s3, v11  }
0x395: {  	vm14 =	vge.s32 v11, v8  }
0x396: {  	(xrf0) =	vadd.scan.msk.s32 $0xffff, v9;
	v9 =	vsel vm14, $0x1, v2  }
0x397: {  	(xrf0) =	vadd.scan.msk.s32 $0xffff, v9;
	s31 =	spop (v2sf)  }
0x398: {  	v12, _, _ =	vpop (xrf0);
	s2 =	sadd.s32 s31, s3  }
0x399: {  	(v2sf) =	vpush v12, $0xF;
	s5 =	sadd.s32 $0x80000000, s2  }
0x39a: {  	s4 =	simm.s32 $0xE040;
	[tilespmem:s29+$0x0] =	vst v2;
	v10 =	vadd.s32 s5, v10  }
0x39b: {  	v11 =	vld [tilespmem:s4+$0x0]  }
0x39c: {  	v9, _, _ =	vpop (xrf0)  }
0x39d: {  	v62 =	vxor.u32 $0x80000000, v9;
	vm15 =	vge.s32 v10, v8;
	v10, _, _ =	vpop (xrf0)  }
0x39e: {  	s7 =	simm.s32 $0x20;
	s6 =	simm.s32 $0x30;
	(xrf0) =	vmax.scan.msk.u32 $0xffff, v62;
	(v2sf) =	vpush v10, $0xF  }
0x39f: {  	s8 =	simm.s32 $0x60;
	p0 =	por $0x1, $0x1;
	s9 =	spop (v2sf)  }
0x3a0: {  	s1 =	simm.s32 $0x400;
	s3 =	simm.s32 $0x40;
	s10 =	ssub.s32 $0x10, s9;
	v63 =	vsel vm15, $0x1, v2;
	(xrf0) =	vadd.scan.msk.s32 $0xffff, v11  }
0x3a1: {  	[tilespmem:s4+$0x0] =	vst v2;
	s2 =	simm.s32 $0x50;
	s9 =	ssub.s32 $0x10, s9;
	p2 =	slt.s32 s10, $0x10;
	(xrf0) =	vadd.scan.msk.s32 $0xffff, v63  }
.LBB2_33:
0x3a2: {  	p1 =	sne.s32 s8, $0x400  }
0x3a3: {  	s10 =	smov.u32 s1;
	s11 =	smov.u32 s3;
	s3 =	smov.u32 s2  }
0x3a4: {  	v10, _, _ =	vpop (xrf0);
	s2 =	smov.u32 s8;
	s8 =	sadd.s32 $0x10, s8;
	s10 =	smov.u32 @p2 s9  }
0x3a5: {  	(v2sf) =	vpush v10, $0xF;
	s1 =	smov.u32 @p0 s10;
	_ =	sdelay $0x2  }
0x3a6: {  	s4 =	sadd.s32 $0x10, s4;
	v10, _, _ =	vpop (xrf0);
	s9 =	spop (v2sf)  }
0x3a7: {  	v11 =	vld [tilespmem:s4+$0x0];
	v12 =	vxor.u32 $0x80000000, v10;
	s5 =	sadd.s32 s9, s5;
	v13, _, _ =	vpop (xrf0)  }
0x3a8: {  	[tilespmem:s4+$0x0] =	vst v2;
	(xrf0) =	vmax.scan.msk.u32 $0xffff, v12;
	s5 =	sadd.s32 $0x80000000, s5;
	(v2sf) =	vpush v13, $0xF  }
.Ltmp17:
0x3a9: {  	v12 =	vadd.s32 s5, v9;
	v9 =	vmov v10;
	(pc) =	sbr.rel @p1 .LBB2_33-.Ltmp17, $4  }
0x3aa: {  	vm0 =	vge.s32 v12, v8  }
0x3ab: {  	v10 =	vsel vm0, $0x1, v2;
	s9 =	spop (v2sf)  }
0x3ac: {  	(xrf0) =	vadd.scan.msk.s32 $0xffff, v11;
	s10 =	ssub.s32 $0x10, s9;
	s9 =	ssub.s32 s7, s9;
	s7 =	smov.u32 s6  }
0x3ad: {  	p0 =	sgt.s32 s1, $0x3FF;
	s6 =	smov.u32 s11;
	(xrf0) =	vadd.scan.msk.s32 $0xffff, v10;
	p2 =	slt.s32 s10, $0x10  }
0x3ae: {  	v10, _, _ =	vpop (xrf0)  }
0x3af: {  	(v2sf) =	vpush v10, $0xF;
	_ =	sdelay $0xb  }
0x3b0: {  	s4 =	spop (v2sf)  }
0x3b1: {  	s4 =	sadd.s32 s4, s5  }
0x3b2: {  	s4 =	sadd.s32 $0x80000000, s4;
	s22 =	spop (v2sf)  }
0x3b3: {  	v10, _, _ =	vpop (xrf0);
	v9 =	vadd.s32 s4, v9;
	s8 =	spop (v2sf)  }
0x3b4: {  	v11 =	vxor.u32 $0x80000000, v10;
	vm0 =	vge.s32 v9, v8;
	s4 =	sadd.s32 s8, s4  }
0x3b5: {  	(xrf0) =	vmax.scan.msk.u32 $0xffff, v11;
	v9 =	vsel vm0, $0x1, v2;
	s4 =	sadd.s32 $0x80000000, s4  }
0x3b6: {  	(xrf0) =	vadd.scan.msk.s32 $0xffff, v9;
	v9 =	vadd.s32 s4, v10  }
0x3b7: {  	vm15 =	vge.s32 v9, v8  }
0x3b8: {  	v8 =	vsel vm15, $0x1, v2  }
0x3b9: {  	v9, _, _ =	vpop (xrf0);
	(xrf0) =	vadd.scan.msk.s32 $0xffff, v8  }
0x3ba: {  	(v2sf) =	vpush v9, $0xF  }
0x3bb: {  	v8, _, _ =	vpop (xrf0)  }
0x3bc: {  	(v2sf) =	vpush v8, $0xF;
	v8, _, _ =	vpop (xrf0)  }
0x3bd: {  	(v2sf) =	vpush v8, $0xF;
	_ =	sdelay $0x1  }
0x3be: {  	v8, _, _ =	vpop (xrf0)  }
0x3bf: {  	(v2sf) =	vpush v8, $0xF;
	_ =	sdelay $0x3  }
0x3c0: {  	s4 =	smov.u32 s1  }
0x3c1: {  	s4 =	smov.u32 @p2 s9  }
0x3c2: {  	s23 =	ssub.s32 $0x10, s22;
	s1 =	smov.u32 @p0 s4  }
0x3c3: {  	s5 =	ssub.s32 s7, s22;
	p0 =	slt.s32 s23, $0x10;
	s4 =	smov.u32 s1  }
0x3c4: {  	p1 =	sgt.s32 s1, $0x3FF;
	s4 =	smov.u32 @p0 s5  }
0x3c5: {  	s1 =	smov.u32 @p1 s4;
	s24 =	spop (v2sf)  }
0x3c6: {  	s4 =	smov.u32 s1;
	s25 =	ssub.s32 $0x10, s24  }
0x3c7: {  	s5 =	ssub.s32 s6, s24;
	p0 =	slt.s32 s25, $0x10;
	s26 =	spop (v2sf)  }
0x3c8: {  	p1 =	sgt.s32 s1, $0x3FF;
	s4 =	smov.u32 @p0 s5;
	s28 =	spop (v2sf)  }
0x3c9: {  	s1 =	smov.u32 @p1 s4;
	s29 =	ssub.s32 $0x10, s28  }
0x3ca: {  	s3 =	ssub.s32 s3, s28;
	p0 =	slt.s32 s29, $0x10;
	s4 =	smov.u32 s1  }
0x3cb: {  	p1 =	sgt.s32 s1, $0x3FF;
	s4 =	smov.u32 @p0 s3;
	s30 =	spop (v2sf)  }
0x3cc: {  	s1 =	smov.u32 @p1 s4;
	s31 =	ssub.s32 $0x10, s30  }
0x3cd: {  	s2 =	ssub.s32 s2, s30;
	p0 =	slt.s32 s31, $0x10;
	s3 =	smov.u32 s1  }
0x3ce: {  	p1 =	sgt.s32 s1, $0x3FF;
	s3 =	smov.u32 @p0 s2  }
0x3cf: {  	s0 =	sshll.u32 s0, $0xA;
	s1 =	smov.u32 @p1 s3  }
0x3d0: {  	s1 =	sadd.s32 s0, s1;
	s0 =	simm.s32 $0x0  }
0x3d1: {  	v9 =	vld [tilespmem:s0+$0xC000]  }
0x3d2: {  	v8 =	vmov s1;
	s1 =	simm.s32 $0x40  }
.LBB2_35:
0x3d3: {  	p0 =	sne.s32 s1, $0x7FC0  }
.Ltmp18:
0x3d4: {  	_ = 	snop;
	(pc) =	sbr.rel @p0 .LBB2_35-.Ltmp18, $4  }
0x3d5: {  	_ = 	snop  }
0x3d6: {  	s2 =	sshra.s32 s1, $0x2;
	s1 =	sadd.s32 $0x40, s1;
	vm0 =	vle.s32 v9, v8  }
0x3d7: {  	v9 =	vld [tilespmem:s2+$0xC000];
	v10 =	vsel vm0, $0x3F800000, v2  }
0x3d8: {  	[tilespmem:s0+$0xE900] =	vst v10;
	s0 =	smov.u32 s2  }
0x3d9: {  	s1 =	rddreg [dreg:$0x9]  }
0x3da: {  	s2 =	rddreg [dreg:$0xd]  }
0x3db: {  	s29 =	rddreg [dreg:$0x5];
	s3 =	simm.s32 $0x80  }
0x3dc: {  	s4 =	simm.s32 $0x400;
	s12 =	sadd.s32 $0x1, s12;
	s1 =	sadd.s32 s1, s2;
	vm0 =	vle.s32 v9, v8  }
0x3dd: {  	s30 =	simm.s32 $0xE900;
	p0 =	sne.s32 s12, $0x4;
	s1 =	sshrl.u32 s1, $0x3;
	v8 =	vsel vm0, $0x3F800000, v2  }
.Ltmp19:
0x3de: {  	s31 =	simm.s32 $0x3;
	[tilespmem:s0+$0xE900] =	vst v8;
	s0 =	sadd.s32 s29, s1;
	(pc) =	sbr.rel @p0 .LBB2_4-.Ltmp19, $4  }
0x3df: {  	[hbm4b:s0+s3] =	stream.strided.scatter [tilespmem:s30], [sflag:$0x3], $0x2000, s4, s3, $0x38;
	[tilespmem:$0x12980] =	vst v63  }
0x3e0: {  	_ =	swait.ge [sflag:s31], $0x2000  }
0x3e1: {  	[sflag:s31] =	ssyncset.done $0x0  }
0x3e2: {  	s5 =	simm.s32 $0x6000;
	[sflag:s31] =	ssyncadd.s32 $0xFFFFE000  }
0x3e3: {  	s1 =	rddreg [dreg:$0xb]  }
0x3e4: {  	s0 =	rddreg [dreg:$0xa];
	s1 =	sadd.s32 $0x1, s1  }
0x3e5: {  	p0 =	sne.s32 s1, s0  }
.Ltmp20:
0x3e6: {  	_ = 	snop;
	(pc) =	sbr.rel @p0 .LBB2_1-.Ltmp20, $1  }
0x3e7: {  	_ =	sdelay $0x3  }
0x3e8: {  	_ =	sfence.sel $0x180000  }
0x3e9: {  	[bflag:$0x0] =	sbarrier.arrive $0xFFFF  }
0x3ea: {  	_ =	strace $0x90000047  }
0x3eb: {  	s0 =	stileid.u32;
	[bflag:$0x2] =	sbarrier.arrive $0xFFFF  }
0x3ec: {  	p0 =	sne.s32 s0, $0x0;
	s0 =	rddreg [dreg:$0x2]  }
0x3ed: {  	s0 =	sadd.s32 @!p0 $0x100000, s0  }
0x3ee: {  	[sflag:s0] =	ssyncadd.tile.s32 @!p0 $0x1;
	_ =	shalt  }
.Lfunc_end2:
_tile_overlayer_lowered:
.L_overlay_start_2:
0x3ef: {  	(tag) =	ssettag $0x2  }
0x3f0: {  	s0 =	rddreg [dreg:$0x0];
	s2 =	stileid.u32  }
0x3f1: {  	s1 =	rddreg [dreg:$0x1];
	p0 =	sne.s32 s2, $0x0  }
0x3f2: {  	s3 =	rddreg [dreg:$0x2];
	[bflag:$0x3] =	sbarrier.arrive $0xFFFF;
	s2 =	simm.s32 @!p0 $0x1C03  }
0x3f3: {  	[timem:s3], [sflag:s2] =	dma.local @!p0 [hbm:s0], s1  }
0x3f4: {  	s0 =	simm.s32 @!p0 $0x3  }
0x3f5: {  	_ =	swait.ge @!p0 [sflag:s0], s1  }
0x3f6: {  	s1 =	ssub.s32 @!p0 $0x0, s1;
	[sflag:s0] =	ssyncset.done @!p0 $0x0  }
0x3f7: {  	[sflag:s0] =	ssyncadd.s32 @!p0 s1  }
0x3f8: {  	[bflag:$0x3] =	sbarrier.arrive $0xFFFF  }
0x3f9: {  	_ =	shalt  }

</sc_bundles>
